<compile_context>
chip_gen: v7x
topology: tpu7x:2x2x1
jax: 0.10.2.dev20260603
libtpu: 0.0.44.dev20260713+nightly
codegen_flags: <defaults>
</compile_context>

<pallas_src>
import jax
import jax.numpy as jnp
from jax import lax
from jax.experimental import pallas as pl
from jax.experimental.pallas import tpu as pltpu
from jax.experimental.pallas import tpu_sc as plsc

_NC = 1
_NS = 16
_NW = _NC * _NS
_L = 16

_B = 16384
_CHUNK = _B // _NW
_COLS = 128
_ROWS = _CHUNK // _COLS

_NPAD = 1024
_NROWS = 1000


def _tc_scores_body(gu_ref, gi_ref, beta_ref, u_ref, i_ref, j_ref,
                    out_ref, oi_ref, oj_ref):
    out_ref[:, : _NROWS] = lax.dot_general(
        gu_ref[...], gi_ref[...],
        (((1,), (1,)), ((), ())),
        preferred_element_type=jnp.float32,
    ) + beta_ref[...]
    u = u_ref[...]
    oi_ref[...] = u * _NPAD + i_ref[...]
    oj_ref[...] = u * _NPAD + j_ref[...]


def _sc_gather_body(g_ref, i_ref, j_ref, out_ref,
                    i_v, j_v, gi_v, gj_v, z_v, sem):
    wid = lax.axis_index("s") * _NC + lax.axis_index("c")
    cps = [pltpu.async_copy(i_ref.at[wid], i_v, sem),
           pltpu.async_copy(j_ref.at[wid], j_v, sem)]
    for c in cps:
        c.wait()
    cps = []
    for r in range(_ROWS):
        cps.append(pltpu.async_copy(g_ref.at[i_v.at[r]], gi_v.at[r], sem))
        cps.append(pltpu.async_copy(g_ref.at[j_v.at[r]], gj_v.at[r], sem))
    for c in cps:
        c.wait()
    for r in range(_ROWS):
        for t in range(_COLS // _L):
            sl = pl.ds(t * _L, _L)
            z_v[r, sl] = gi_v[r, sl] - gj_v[r, sl]
    pltpu.sync_copy(z_v, out_ref.at[wid])


def _tc_loss_body(z_ref, out_ref):
    z = z_ref[...]
    out_ref[0, 0] = -jnp.mean(jnp.log(jax.nn.sigmoid(z)))


def kernel(sampleU, sampleI, sampleJ, betaI, gammaU, gammaI):
    beta = betaI.reshape(1, _NROWS)
    gammaU = gammaU.astype(jnp.bfloat16)
    gammaI = gammaI.astype(jnp.bfloat16)
    u2 = sampleU.reshape(_B // 128, 128)
    i2 = sampleI.reshape(_B // 128, 128)
    j2 = sampleJ.reshape(_B // 128, 128)

    scores, oi, oj = pl.pallas_call(
        _tc_scores_body,
        out_shape=(jax.ShapeDtypeStruct((_NROWS, _NPAD), jnp.float32),
                   jax.ShapeDtypeStruct((_B // 128, 128), jnp.int32),
                   jax.ShapeDtypeStruct((_B // 128, 128), jnp.int32)),
    )(gammaU, gammaI, beta, u2, i2, j2)

    g_flat = scores.reshape(_NROWS * _NPAD)
    i3 = oi.reshape(_NW, _ROWS, _COLS)
    j3 = oj.reshape(_NW, _ROWS, _COLS)

    sc_gather = pl.kernel(
        _sc_gather_body,
        out_type=jax.ShapeDtypeStruct((_NW, _ROWS, _COLS), jnp.float32),
        mesh=plsc.VectorSubcoreMesh(core_axis_name="c", subcore_axis_name="s",
                                    num_cores=_NC, num_subcores=_NS),
        scratch_types=[
            pltpu.VMEM((_ROWS, _COLS), jnp.int32),
            pltpu.VMEM((_ROWS, _COLS), jnp.int32),
            pltpu.VMEM((_ROWS, _COLS), jnp.float32),
            pltpu.VMEM((_ROWS, _COLS), jnp.float32),
            pltpu.VMEM((_ROWS, _COLS), jnp.float32),
            pltpu.SemaphoreType.DMA,
        ],
    )
    z3 = sc_gather(g_flat, i3, j3)

    z = z3.reshape(_B // 128, 128)
    loss = pl.pallas_call(
        _tc_loss_body,
        out_shape=jax.ShapeDtypeStruct((1, 1), jnp.float32),
        out_specs=pl.BlockSpec(memory_space=pltpu.SMEM),
    )(z)
    return loss[0, 0]

# --- scband reference (transcript-rebuilt; emitter-appended) ---
"""Pipeline reference for scband-bprbatch-8220567405224 (READ-ONLY COPY).

The authoritative reference and input builder live on the scoring server;
editing this copy changes nothing except your own understanding.
"""

import jax, jax.numpy as jnp
import numpy as np

N_ITEMS = 1000
N_USERS = 1000
K = 64
BATCH = 16384


def setup_inputs(seed: int = 0) -> dict:
    key = jax.random.key(seed)
    k1, k2, k3, k4, k5, k6 = jax.random.split(key, 6)
    betaI = jax.random.normal(k1, (N_ITEMS,), dtype=jnp.float32) * 0.001
    gammaU = jax.random.normal(k2, (N_USERS, K), dtype=jnp.float32) * 0.001
    gammaI = jax.random.normal(k3, (N_ITEMS, K), dtype=jnp.float32) * 0.001
    sampleU = jax.random.randint(k4, (BATCH,), 0, N_USERS, dtype=jnp.int32)
    sampleI = jax.random.randint(k5, (BATCH,), 0, N_ITEMS, dtype=jnp.int32)
    sampleJ = jax.random.randint(k6, (BATCH,), 0, N_ITEMS, dtype=jnp.int32)
    return {
        "sampleU": sampleU,
        "sampleI": sampleI,
        "sampleJ": sampleJ,
        "betaI": betaI,
        "gammaU": gammaU,
        "gammaI": gammaI,
    }


def _score(betaI, gammaU, gammaI, u, i):
    # tf.nn.embedding_lookup -> jnp.take(..., axis=0)
    beta_i = jnp.take(betaI, i, axis=0)
    gamma_u = jnp.take(gammaU, u, axis=0)
    gamma_i = jnp.take(gammaI, i, axis=0)
    return beta_i + jnp.sum(gamma_u * gamma_i, axis=1)


def reference(sampleU, sampleI, sampleJ, betaI, gammaU, gammaI):
    x_ui = _score(betaI, gammaU, gammaI, sampleU, sampleI)
    x_uj = _score(betaI, gammaU, gammaI, sampleU, sampleJ)
    return -jnp.mean(jnp.log(jax.nn.sigmoid(x_ui - x_uj)))

if __name__ == "__main__":
    import jax
    _d = setup_inputs()
    print(jax.jit(kernel)(*tuple(_d.values())))

</pallas_src>

<mosaic_0001>
#map = affine_map<(d0, d1) -> (0)>
#map1 = affine_map<(d0, d1) -> (0, 0, 0)>
module attributes {stable_mosaic.version = 14 : i64} {
  func.func @_sc_gather_body(%arg0: i32, %arg1: i32, %arg2: memref<1024000xf32, #tpu.memory_space<hbm>>, %arg3: memref<16x8x128xi32, #tpu.memory_space<hbm>>, %arg4: memref<16x8x128xi32, #tpu.memory_space<hbm>>, %arg5: memref<16x8x128xf32, #tpu.memory_space<hbm>>, %arg6: memref<8x128xi32, #tpu.memory_space<vmem>>, %arg7: memref<8x128xi32, #tpu.memory_space<vmem>>, %arg8: memref<8x128xf32, #tpu.memory_space<vmem>>, %arg9: memref<8x128xf32, #tpu.memory_space<vmem>>, %arg10: memref<8x128xf32, #tpu.memory_space<vmem>>, %arg11: memref<!tpu.dma_semaphore, #tpu.memory_space<semaphore_mem>>) attributes {dimension_semantics = [#tpu.dimension_semantics<core_parallel>, #tpu.dimension_semantics<subcore_parallel>], iteration_bounds = array<i64: 1, 16>, scalar_prefetch = 0 : i64, scratch_operands = 6 : i64, tpu.core_type = #tpu.core_type<sc_vector_subcore>, window_params = [{transform_indices = #map}, {transform_indices = #map1}, {transform_indices = #map1}, {transform_indices = #map1}]} {
    %mul3A = arith.constant 1 : i32
    %mul3A_0 = arith.muli %arg1, %mul3A : i32
    %add3A = arith.addi %mul3A_0, %arg0 : i32
    %dma_start3A = arith.constant 0 : i32
    %dma_start3A_1 = arith.constant 0 : i32
    %dma_start3A_2 = tpu.memref_slice %arg3[%add3A, %dma_start3A, %dma_start3A_1] : memref<16x8x128xi32, #tpu.memory_space<hbm>> -> memref<1x8x128xi32, #tpu.memory_space<hbm>>
    %dma_start3A_3 = tpu.memref_squeeze %dma_start3A_2 : memref<1x8x128xi32, #tpu.memory_space<hbm>> -> memref<8x128xi32, #tpu.memory_space<hbm>>
    %dma_start3A_4 = arith.constant 0 : i32
    %dma_start3A_5 = arith.constant 0 : i32
    %dma_start3A_6 = tpu.memref_slice %arg3[%add3A, %dma_start3A_4, %dma_start3A_5] : memref<16x8x128xi32, #tpu.memory_space<hbm>> -> memref<1x8x128xi32, #tpu.memory_space<hbm>>
    %dma_start3A_7 = tpu.memref_squeeze %dma_start3A_6 : memref<1x8x128xi32, #tpu.memory_space<hbm>> -> memref<8x128xi32, #tpu.memory_space<hbm>>
    tpu.enqueue_dma source(%dma_start3A_7 : memref<8x128xi32, #tpu.memory_space<hbm>>) target(%arg6 : memref<8x128xi32, #tpu.memory_space<vmem>>) target_semaphore(%arg11 : memref<!tpu.dma_semaphore, #tpu.memory_space<semaphore_mem>>)
    %dma_start3A_8 = arith.constant 0 : i32
    %dma_start3A_9 = arith.constant 0 : i32
    %dma_start3A_10 = tpu.memref_slice %arg4[%add3A, %dma_start3A_8, %dma_start3A_9] : memref<16x8x128xi32, #tpu.memory_space<hbm>> -> memref<1x8x128xi32, #tpu.memory_space<hbm>>
    %dma_start3A_11 = tpu.memref_squeeze %dma_start3A_10 : memref<1x8x128xi32, #tpu.memory_space<hbm>> -> memref<8x128xi32, #tpu.memory_space<hbm>>
    %dma_start3A_12 = arith.constant 0 : i32
    %dma_start3A_13 = arith.constant 0 : i32
    %dma_start3A_14 = tpu.memref_slice %arg4[%add3A, %dma_start3A_12, %dma_start3A_13] : memref<16x8x128xi32, #tpu.memory_space<hbm>> -> memref<1x8x128xi32, #tpu.memory_space<hbm>>
    %dma_start3A_15 = tpu.memref_squeeze %dma_start3A_14 : memref<1x8x128xi32, #tpu.memory_space<hbm>> -> memref<8x128xi32, #tpu.memory_space<hbm>>
    tpu.enqueue_dma source(%dma_start3A_15 : memref<8x128xi32, #tpu.memory_space<hbm>>) target(%arg7 : memref<8x128xi32, #tpu.memory_space<vmem>>) target_semaphore(%arg11 : memref<!tpu.dma_semaphore, #tpu.memory_space<semaphore_mem>>)
    %dma_wait3A = arith.constant 0 : i32
    %dma_wait3A_16 = arith.constant 0 : i32
    %dma_wait3A_17 = tpu.memref_slice %arg3[%add3A, %dma_wait3A, %dma_wait3A_16] : memref<16x8x128xi32, #tpu.memory_space<hbm>> -> memref<1x8x128xi32, #tpu.memory_space<hbm>>
    %dma_wait3A_18 = tpu.memref_squeeze %dma_wait3A_17 : memref<1x8x128xi32, #tpu.memory_space<hbm>> -> memref<8x128xi32, #tpu.memory_space<hbm>>
    %dma_wait3A_19 = arith.constant 0 : i32
    %dma_wait3A_20 = arith.constant 0 : i32
    %dma_wait3A_21 = tpu.memref_slice %arg3[%add3A, %dma_wait3A_19, %dma_wait3A_20] : memref<16x8x128xi32, #tpu.memory_space<hbm>> -> memref<1x8x128xi32, #tpu.memory_space<hbm>>
    %dma_wait3A_22 = tpu.memref_squeeze %dma_wait3A_21 : memref<1x8x128xi32, #tpu.memory_space<hbm>> -> memref<8x128xi32, #tpu.memory_space<hbm>>
    tpu.wait_dma2 semaphore(%arg11 : memref<!tpu.dma_semaphore, #tpu.memory_space<semaphore_mem>>) src(%dma_wait3A_22 : memref<8x128xi32, #tpu.memory_space<hbm>>) dst(%arg6 : memref<8x128xi32, #tpu.memory_space<vmem>>)
    %dma_wait3A_23 = arith.constant 0 : i32
    %dma_wait3A_24 = arith.constant 0 : i32
    %dma_wait3A_25 = tpu.memref_slice %arg4[%add3A, %dma_wait3A_23, %dma_wait3A_24] : memref<16x8x128xi32, #tpu.memory_space<hbm>> -> memref<1x8x128xi32, #tpu.memory_space<hbm>>
    %dma_wait3A_26 = tpu.memref_squeeze %dma_wait3A_25 : memref<1x8x128xi32, #tpu.memory_space<hbm>> -> memref<8x128xi32, #tpu.memory_space<hbm>>
    %dma_wait3A_27 = arith.constant 0 : i32
    %dma_wait3A_28 = arith.constant 0 : i32
    %dma_wait3A_29 = tpu.memref_slice %arg4[%add3A, %dma_wait3A_27, %dma_wait3A_28] : memref<16x8x128xi32, #tpu.memory_space<hbm>> -> memref<1x8x128xi32, #tpu.memory_space<hbm>>
    %dma_wait3A_30 = tpu.memref_squeeze %dma_wait3A_29 : memref<1x8x128xi32, #tpu.memory_space<hbm>> -> memref<8x128xi32, #tpu.memory_space<hbm>>
    tpu.wait_dma2 semaphore(%arg11 : memref<!tpu.dma_semaphore, #tpu.memory_space<semaphore_mem>>) src(%dma_wait3A_30 : memref<8x128xi32, #tpu.memory_space<hbm>>) dst(%arg7 : memref<8x128xi32, #tpu.memory_space<vmem>>)
    %dma_start3A_31 = arith.constant 0 : i32
    %dma_start3A_32 = arith.constant 0 : i32
    %dma_start3A_33 = arith.constant 0 : i32
    %dma_start3A_34 = tpu.memref_slice %arg8[%dma_start3A_32, %dma_start3A_33] : memref<8x128xf32, #tpu.memory_space<vmem>> -> memref<1x128xf32, #tpu.memory_space<vmem>>
    %dma_start3A_35 = tpu.memref_squeeze %dma_start3A_34 : memref<1x128xf32, #tpu.memory_space<vmem>> -> memref<128xf32, #tpu.memory_space<vmem>>
    %dma_start3A_36 = arith.constant 0 : i32
    %dma_start3A_37 = tpu.memref_slice %arg6[%dma_start3A_31, %dma_start3A_36] : memref<8x128xi32, #tpu.memory_space<vmem>> -> memref<1x128xi32, #tpu.memory_space<vmem>>
    %dma_start3A_38 = tpu.memref_squeeze %dma_start3A_37 : memref<1x128xi32, #tpu.memory_space<vmem>> -> memref<128xi32, #tpu.memory_space<vmem>>
    %dma_start3A_39 = arith.constant 0 : i32
    %dma_start3A_40 = tpu.memref_slice %arg2[%dma_start3A_39] : memref<1024000xf32, #tpu.memory_space<hbm>> -> memref<1024000xf32, #tpu.memory_space<hbm>>
    tpu.enqueue_indirect_dma source(%dma_start3A_40 : memref<1024000xf32, #tpu.memory_space<hbm>>) target(%dma_start3A_35 : memref<128xf32, #tpu.memory_space<vmem>>) offsets(%dma_start3A_38 : memref<128xi32, #tpu.memory_space<vmem>>) semaphore(%arg11 : memref<!tpu.dma_semaphore, #tpu.memory_space<semaphore_mem>>)
    %dma_start3A_41 = arith.constant 0 : i32
    %dma_start3A_42 = arith.constant 0 : i32
    %dma_start3A_43 = arith.constant 0 : i32
    %dma_start3A_44 = tpu.memref_slice %arg9[%dma_start3A_42, %dma_start3A_43] : memref<8x128xf32, #tpu.memory_space<vmem>> -> memref<1x128xf32, #tpu.memory_space<vmem>>
    %dma_start3A_45 = tpu.memref_squeeze %dma_start3A_44 : memref<1x128xf32, #tpu.memory_space<vmem>> -> memref<128xf32, #tpu.memory_space<vmem>>
    %dma_start3A_46 = arith.constant 0 : i32
    %dma_start3A_47 = tpu.memref_slice %arg7[%dma_start3A_41, %dma_start3A_46] : memref<8x128xi32, #tpu.memory_space<vmem>> -> memref<1x128xi32, #tpu.memory_space<vmem>>
    %dma_start3A_48 = tpu.memref_squeeze %dma_start3A_47 : memref<1x128xi32, #tpu.memory_space<vmem>> -> memref<128xi32, #tpu.memory_space<vmem>>
    %dma_start3A_49 = arith.constant 0 : i32
    %dma_start3A_50 = tpu.memref_slice %arg2[%dma_start3A_49] : memref<1024000xf32, #tpu.memory_space<hbm>> -> memref<1024000xf32, #tpu.memory_space<hbm>>
    tpu.enqueue_indirect_dma source(%dma_start3A_50 : memref<1024000xf32, #tpu.memory_space<hbm>>) target(%dma_start3A_45 : memref<128xf32, #tpu.memory_space<vmem>>) offsets(%dma_start3A_48 : memref<128xi32, #tpu.memory_space<vmem>>) semaphore(%arg11 : memref<!tpu.dma_semaphore, #tpu.memory_space<semaphore_mem>>)
    %dma_start3A_51 = arith.constant 1 : i32
    %dma_start3A_52 = arith.constant 1 : i32
    %dma_start3A_53 = arith.constant 0 : i32
    %dma_start3A_54 = tpu.memref_slice %arg8[%dma_start3A_52, %dma_start3A_53] : memref<8x128xf32, #tpu.memory_space<vmem>> -> memref<1x128xf32, #tpu.memory_space<vmem>>
    %dma_start3A_55 = tpu.memref_squeeze %dma_start3A_54 : memref<1x128xf32, #tpu.memory_space<vmem>> -> memref<128xf32, #tpu.memory_space<vmem>>
    %dma_start3A_56 = arith.constant 0 : i32
    %dma_start3A_57 = tpu.memref_slice %arg6[%dma_start3A_51, %dma_start3A_56] : memref<8x128xi32, #tpu.memory_space<vmem>> -> memref<1x128xi32, #tpu.memory_space<vmem>>
    %dma_start3A_58 = tpu.memref_squeeze %dma_start3A_57 : memref<1x128xi32, #tpu.memory_space<vmem>> -> memref<128xi32, #tpu.memory_space<vmem>>
    %dma_start3A_59 = arith.constant 0 : i32
    %dma_start3A_60 = tpu.memref_slice %arg2[%dma_start3A_59] : memref<1024000xf32, #tpu.memory_space<hbm>> -> memref<1024000xf32, #tpu.memory_space<hbm>>
    tpu.enqueue_indirect_dma source(%dma_start3A_60 : memref<1024000xf32, #tpu.memory_space<hbm>>) target(%dma_start3A_55 : memref<128xf32, #tpu.memory_space<vmem>>) offsets(%dma_start3A_58 : memref<128xi32, #tpu.memory_space<vmem>>) semaphore(%arg11 : memref<!tpu.dma_semaphore, #tpu.memory_space<semaphore_mem>>)
    %dma_start3A_61 = arith.constant 1 : i32
    %dma_start3A_62 = arith.constant 1 : i32
    %dma_start3A_63 = arith.constant 0 : i32
    %dma_start3A_64 = tpu.memref_slice %arg9[%dma_start3A_62, %dma_start3A_63] : memref<8x128xf32, #tpu.memory_space<vmem>> -> memref<1x128xf32, #tpu.memory_space<vmem>>
    %dma_start3A_65 = tpu.memref_squeeze %dma_start3A_64 : memref<1x128xf32, #tpu.memory_space<vmem>> -> memref<128xf32, #tpu.memory_space<vmem>>
    %dma_start3A_66 = arith.constant 0 : i32
    %dma_start3A_67 = tpu.memref_slice %arg7[%dma_start3A_61, %dma_start3A_66] : memref<8x128xi32, #tpu.memory_space<vmem>> -> memref<1x128xi32, #tpu.memory_space<vmem>>
    %dma_start3A_68 = tpu.memref_squeeze %dma_start3A_67 : memref<1x128xi32, #tpu.memory_space<vmem>> -> memref<128xi32, #tpu.memory_space<vmem>>
    %dma_start3A_69 = arith.constant 0 : i32
    %dma_start3A_70 = tpu.memref_slice %arg2[%dma_start3A_69] : memref<1024000xf32, #tpu.memory_space<hbm>> -> memref<1024000xf32, #tpu.memory_space<hbm>>
    tpu.enqueue_indirect_dma source(%dma_start3A_70 : memref<1024000xf32, #tpu.memory_space<hbm>>) target(%dma_start3A_65 : memref<128xf32, #tpu.memory_space<vmem>>) offsets(%dma_start3A_68 : memref<128xi32, #tpu.memory_space<vmem>>) semaphore(%arg11 : memref<!tpu.dma_semaphore, #tpu.memory_space<semaphore_mem>>)
    %dma_start3A_71 = arith.constant 2 : i32
    %dma_start3A_72 = arith.constant 2 : i32
    %dma_start3A_73 = arith.constant 0 : i32
    %dma_start3A_74 = tpu.memref_slice %arg8[%dma_start3A_72, %dma_start3A_73] : memref<8x128xf32, #tpu.memory_space<vmem>> -> memref<1x128xf32, #tpu.memory_space<vmem>>
    %dma_start3A_75 = tpu.memref_squeeze %dma_start3A_74 : memref<1x128xf32, #tpu.memory_space<vmem>> -> memref<128xf32, #tpu.memory_space<vmem>>
    %dma_start3A_76 = arith.constant 0 : i32
    %dma_start3A_77 = tpu.memref_slice %arg6[%dma_start3A_71, %dma_start3A_76] : memref<8x128xi32, #tpu.memory_space<vmem>> -> memref<1x128xi32, #tpu.memory_space<vmem>>
    %dma_start3A_78 = tpu.memref_squeeze %dma_start3A_77 : memref<1x128xi32, #tpu.memory_space<vmem>> -> memref<128xi32, #tpu.memory_space<vmem>>
    %dma_start3A_79 = arith.constant 0 : i32
    %dma_start3A_80 = tpu.memref_slice %arg2[%dma_start3A_79] : memref<1024000xf32, #tpu.memory_space<hbm>> -> memref<1024000xf32, #tpu.memory_space<hbm>>
    tpu.enqueue_indirect_dma source(%dma_start3A_80 : memref<1024000xf32, #tpu.memory_space<hbm>>) target(%dma_start3A_75 : memref<128xf32, #tpu.memory_space<vmem>>) offsets(%dma_start3A_78 : memref<128xi32, #tpu.memory_space<vmem>>) semaphore(%arg11 : memref<!tpu.dma_semaphore, #tpu.memory_space<semaphore_mem>>)
    %dma_start3A_81 = arith.constant 2 : i32
    %dma_start3A_82 = arith.constant 2 : i32
    %dma_start3A_83 = arith.constant 0 : i32
    %dma_start3A_84 = tpu.memref_slice %arg9[%dma_start3A_82, %dma_start3A_83] : memref<8x128xf32, #tpu.memory_space<vmem>> -> memref<1x128xf32, #tpu.memory_space<vmem>>
    %dma_start3A_85 = tpu.memref_squeeze %dma_start3A_84 : memref<1x128xf32, #tpu.memory_space<vmem>> -> memref<128xf32, #tpu.memory_space<vmem>>
    %dma_start3A_86 = arith.constant 0 : i32
    %dma_start3A_87 = tpu.memref_slice %arg7[%dma_start3A_81, %dma_start3A_86] : memref<8x128xi32, #tpu.memory_space<vmem>> -> memref<1x128xi32, #tpu.memory_space<vmem>>
    %dma_start3A_88 = tpu.memref_squeeze %dma_start3A_87 : memref<1x128xi32, #tpu.memory_space<vmem>> -> memref<128xi32, #tpu.memory_space<vmem>>
    %dma_start3A_89 = arith.constant 0 : i32
    %dma_start3A_90 = tpu.memref_slice %arg2[%dma_start3A_89] : memref<1024000xf32, #tpu.memory_space<hbm>> -> memref<1024000xf32, #tpu.memory_space<hbm>>
    tpu.enqueue_indirect_dma source(%dma_start3A_90 : memref<1024000xf32, #tpu.memory_space<hbm>>) target(%dma_start3A_85 : memref<128xf32, #tpu.memory_space<vmem>>) offsets(%dma_start3A_88 : memref<128xi32, #tpu.memory_space<vmem>>) semaphore(%arg11 : memref<!tpu.dma_semaphore, #tpu.memory_space<semaphore_mem>>)
    %dma_start3A_91 = arith.constant 3 : i32
    %dma_start3A_92 = arith.constant 3 : i32
    %dma_start3A_93 = arith.constant 0 : i32
    %dma_start3A_94 = tpu.memref_slice %arg8[%dma_start3A_92, %dma_start3A_93] : memref<8x128xf32, #tpu.memory_space<vmem>> -> memref<1x128xf32, #tpu.memory_space<vmem>>
    %dma_start3A_95 = tpu.memref_squeeze %dma_start3A_94 : memref<1x128xf32, #tpu.memory_space<vmem>> -> memref<128xf32, #tpu.memory_space<vmem>>
    %dma_start3A_96 = arith.constant 0 : i32
    %dma_start3A_97 = tpu.memref_slice %arg6[%dma_start3A_91, %dma_start3A_96] : memref<8x128xi32, #tpu.memory_space<vmem>> -> memref<1x128xi32, #tpu.memory_space<vmem>>
    %dma_start3A_98 = tpu.memref_squeeze %dma_start3A_97 : memref<1x128xi32, #tpu.memory_space<vmem>> -> memref<128xi32, #tpu.memory_space<vmem>>
    %dma_start3A_99 = arith.constant 0 : i32
    %dma_start3A_100 = tpu.memref_slice %arg2[%dma_start3A_99] : memref<1024000xf32, #tpu.memory_space<hbm>> -> memref<1024000xf32, #tpu.memory_space<hbm>>
    tpu.enqueue_indirect_dma source(%dma_start3A_100 : memref<1024000xf32, #tpu.memory_space<hbm>>) target(%dma_start3A_95 : memref<128xf32, #tpu.memory_space<vmem>>) offsets(%dma_start3A_98 : memref<128xi32, #tpu.memory_space<vmem>>) semaphore(%arg11 : memref<!tpu.dma_semaphore, #tpu.memory_space<semaphore_mem>>)
    %dma_start3A_101 = arith.constant 3 : i32
    %dma_start3A_102 = arith.constant 3 : i32
    %dma_start3A_103 = arith.constant 0 : i32
    %dma_start3A_104 = tpu.memref_slice %arg9[%dma_start3A_102, %dma_start3A_103] : memref<8x128xf32, #tpu.memory_space<vmem>> -> memref<1x128xf32, #tpu.memory_space<vmem>>
    %dma_start3A_105 = tpu.memref_squeeze %dma_start3A_104 : memref<1x128xf32, #tpu.memory_space<vmem>> -> memref<128xf32, #tpu.memory_space<vmem>>
    %dma_start3A_106 = arith.constant 0 : i32
    %dma_start3A_107 = tpu.memref_slice %arg7[%dma_start3A_101, %dma_start3A_106] : memref<8x128xi32, #tpu.memory_space<vmem>> -> memref<1x128xi32, #tpu.memory_space<vmem>>
    %dma_start3A_108 = tpu.memref_squeeze %dma_start3A_107 : memref<1x128xi32, #tpu.memory_space<vmem>> -> memref<128xi32, #tpu.memory_space<vmem>>
    %dma_start3A_109 = arith.constant 0 : i32
    %dma_start3A_110 = tpu.memref_slice %arg2[%dma_start3A_109] : memref<1024000xf32, #tpu.memory_space<hbm>> -> memref<1024000xf32, #tpu.memory_space<hbm>>
    tpu.enqueue_indirect_dma source(%dma_start3A_110 : memref<1024000xf32, #tpu.memory_space<hbm>>) target(%dma_start3A_105 : memref<128xf32, #tpu.memory_space<vmem>>) offsets(%dma_start3A_108 : memref<128xi32, #tpu.memory_space<vmem>>) semaphore(%arg11 : memref<!tpu.dma_semaphore, #tpu.memory_space<semaphore_mem>>)
    %dma_start3A_111 = arith.constant 4 : i32
    %dma_start3A_112 = arith.constant 4 : i32
    %dma_start3A_113 = arith.constant 0 : i32
    %dma_start3A_114 = tpu.memref_slice %arg8[%dma_start3A_112, %dma_start3A_113] : memref<8x128xf32, #tpu.memory_space<vmem>> -> memref<1x128xf32, #tpu.memory_space<vmem>>
    %dma_start3A_115 = tpu.memref_squeeze %dma_start3A_114 : memref<1x128xf32, #tpu.memory_space<vmem>> -> memref<128xf32, #tpu.memory_space<vmem>>
    %dma_start3A_116 = arith.constant 0 : i32
    %dma_start3A_117 = tpu.memref_slice %arg6[%dma_start3A_111, %dma_start3A_116] : memref<8x128xi32, #tpu.memory_space<vmem>> -> memref<1x128xi32, #tpu.memory_space<vmem>>
    %dma_start3A_118 = tpu.memref_squeeze %dma_start3A_117 : memref<1x128xi32, #tpu.memory_space<vmem>> -> memref<128xi32, #tpu.memory_space<vmem>>
    %dma_start3A_119 = arith.constant 0 : i32
    %dma_start3A_120 = tpu.memref_slice %arg2[%dma_start3A_119] : memref<1024000xf32, #tpu.memory_space<hbm>> -> memref<1024000xf32, #tpu.memory_space<hbm>>
    tpu.enqueue_indirect_dma source(%dma_start3A_120 : memref<1024000xf32, #tpu.memory_space<hbm>>) target(%dma_start3A_115 : memref<128xf32, #tpu.memory_space<vmem>>) offsets(%dma_start3A_118 : memref<128xi32, #tpu.memory_space<vmem>>) semaphore(%arg11 : memref<!tpu.dma_semaphore, #tpu.memory_space<semaphore_mem>>)
    %dma_start3A_121 = arith.constant 4 : i32
    %dma_start3A_122 = arith.constant 4 : i32
    %dma_start3A_123 = arith.constant 0 : i32
    %dma_start3A_124 = tpu.memref_slice %arg9[%dma_start3A_122, %dma_start3A_123] : memref<8x128xf32, #tpu.memory_space<vmem>> -> memref<1x128xf32, #tpu.memory_space<vmem>>
    %dma_start3A_125 = tpu.memref_squeeze %dma_start3A_124 : memref<1x128xf32, #tpu.memory_space<vmem>> -> memref<128xf32, #tpu.memory_space<vmem>>
    %dma_start3A_126 = arith.constant 0 : i32
    %dma_start3A_127 = tpu.memref_slice %arg7[%dma_start3A_121, %dma_start3A_126] : memref<8x128xi32, #tpu.memory_space<vmem>> -> memref<1x128xi32, #tpu.memory_space<vmem>>
    %dma_start3A_128 = tpu.memref_squeeze %dma_start3A_127 : memref<1x128xi32, #tpu.memory_space<vmem>> -> memref<128xi32, #tpu.memory_space<vmem>>
    %dma_start3A_129 = arith.constant 0 : i32
    %dma_start3A_130 = tpu.memref_slice %arg2[%dma_start3A_129] : memref<1024000xf32, #tpu.memory_space<hbm>> -> memref<1024000xf32, #tpu.memory_space<hbm>>
    tpu.enqueue_indirect_dma source(%dma_start3A_130 : memref<1024000xf32, #tpu.memory_space<hbm>>) target(%dma_start3A_125 : memref<128xf32, #tpu.memory_space<vmem>>) offsets(%dma_start3A_128 : memref<128xi32, #tpu.memory_space<vmem>>) semaphore(%arg11 : memref<!tpu.dma_semaphore, #tpu.memory_space<semaphore_mem>>)
    %dma_start3A_131 = arith.constant 5 : i32
    %dma_start3A_132 = arith.constant 5 : i32
    %dma_start3A_133 = arith.constant 0 : i32
    %dma_start3A_134 = tpu.memref_slice %arg8[%dma_start3A_132, %dma_start3A_133] : memref<8x128xf32, #tpu.memory_space<vmem>> -> memref<1x128xf32, #tpu.memory_space<vmem>>
    %dma_start3A_135 = tpu.memref_squeeze %dma_start3A_134 : memref<1x128xf32, #tpu.memory_space<vmem>> -> memref<128xf32, #tpu.memory_space<vmem>>
    %dma_start3A_136 = arith.constant 0 : i32
    %dma_start3A_137 = tpu.memref_slice %arg6[%dma_start3A_131, %dma_start3A_136] : memref<8x128xi32, #tpu.memory_space<vmem>> -> memref<1x128xi32, #tpu.memory_space<vmem>>
    %dma_start3A_138 = tpu.memref_squeeze %dma_start3A_137 : memref<1x128xi32, #tpu.memory_space<vmem>> -> memref<128xi32, #tpu.memory_space<vmem>>
    %dma_start3A_139 = arith.constant 0 : i32
    %dma_start3A_140 = tpu.memref_slice %arg2[%dma_start3A_139] : memref<1024000xf32, #tpu.memory_space<hbm>> -> memref<1024000xf32, #tpu.memory_space<hbm>>
    tpu.enqueue_indirect_dma source(%dma_start3A_140 : memref<1024000xf32, #tpu.memory_space<hbm>>) target(%dma_start3A_135 : memref<128xf32, #tpu.memory_space<vmem>>) offsets(%dma_start3A_138 : memref<128xi32, #tpu.memory_space<vmem>>) semaphore(%arg11 : memref<!tpu.dma_semaphore, #tpu.memory_space<semaphore_mem>>)
    %dma_start3A_141 = arith.constant 5 : i32
    %dma_start3A_142 = arith.constant 5 : i32
    %dma_start3A_143 = arith.constant 0 : i32
    %dma_start3A_144 = tpu.memref_slice %arg9[%dma_start3A_142, %dma_start3A_143] : memref<8x128xf32, #tpu.memory_space<vmem>> -> memref<1x128xf32, #tpu.memory_space<vmem>>
    %dma_start3A_145 = tpu.memref_squeeze %dma_start3A_144 : memref<1x128xf32, #tpu.memory_space<vmem>> -> memref<128xf32, #tpu.memory_space<vmem>>
    %dma_start3A_146 = arith.constant 0 : i32
    %dma_start3A_147 = tpu.memref_slice %arg7[%dma_start3A_141, %dma_start3A_146] : memref<8x128xi32, #tpu.memory_space<vmem>> -> memref<1x128xi32, #tpu.memory_space<vmem>>
    %dma_start3A_148 = tpu.memref_squeeze %dma_start3A_147 : memref<1x128xi32, #tpu.memory_space<vmem>> -> memref<128xi32, #tpu.memory_space<vmem>>
    %dma_start3A_149 = arith.constant 0 : i32
    %dma_start3A_150 = tpu.memref_slice %arg2[%dma_start3A_149] : memref<1024000xf32, #tpu.memory_space<hbm>> -> memref<1024000xf32, #tpu.memory_space<hbm>>
    tpu.enqueue_indirect_dma source(%dma_start3A_150 : memref<1024000xf32, #tpu.memory_space<hbm>>) target(%dma_start3A_145 : memref<128xf32, #tpu.memory_space<vmem>>) offsets(%dma_start3A_148 : memref<128xi32, #tpu.memory_space<vmem>>) semaphore(%arg11 : memref<!tpu.dma_semaphore, #tpu.memory_space<semaphore_mem>>)
    %dma_start3A_151 = arith.constant 6 : i32
    %dma_start3A_152 = arith.constant 6 : i32
    %dma_start3A_153 = arith.constant 0 : i32
    %dma_start3A_154 = tpu.memref_slice %arg8[%dma_start3A_152, %dma_start3A_153] : memref<8x128xf32, #tpu.memory_space<vmem>> -> memref<1x128xf32, #tpu.memory_space<vmem>>
    %dma_start3A_155 = tpu.memref_squeeze %dma_start3A_154 : memref<1x128xf32, #tpu.memory_space<vmem>> -> memref<128xf32, #tpu.memory_space<vmem>>
    %dma_start3A_156 = arith.constant 0 : i32
    %dma_start3A_157 = tpu.memref_slice %arg6[%dma_start3A_151, %dma_start3A_156] : memref<8x128xi32, #tpu.memory_space<vmem>> -> memref<1x128xi32, #tpu.memory_space<vmem>>
    %dma_start3A_158 = tpu.memref_squeeze %dma_start3A_157 : memref<1x128xi32, #tpu.memory_space<vmem>> -> memref<128xi32, #tpu.memory_space<vmem>>
    %dma_start3A_159 = arith.constant 0 : i32
    %dma_start3A_160 = tpu.memref_slice %arg2[%dma_start3A_159] : memref<1024000xf32, #tpu.memory_space<hbm>> -> memref<1024000xf32, #tpu.memory_space<hbm>>
    tpu.enqueue_indirect_dma source(%dma_start3A_160 : memref<1024000xf32, #tpu.memory_space<hbm>>) target(%dma_start3A_155 : memref<128xf32, #tpu.memory_space<vmem>>) offsets(%dma_start3A_158 : memref<128xi32, #tpu.memory_space<vmem>>) semaphore(%arg11 : memref<!tpu.dma_semaphore, #tpu.memory_space<semaphore_mem>>)
    %dma_start3A_161 = arith.constant 6 : i32
    %dma_start3A_162 = arith.constant 6 : i32
    %dma_start3A_163 = arith.constant 0 : i32
    %dma_start3A_164 = tpu.memref_slice %arg9[%dma_start3A_162, %dma_start3A_163] : memref<8x128xf32, #tpu.memory_space<vmem>> -> memref<1x128xf32, #tpu.memory_space<vmem>>
    %dma_start3A_165 = tpu.memref_squeeze %dma_start3A_164 : memref<1x128xf32, #tpu.memory_space<vmem>> -> memref<128xf32, #tpu.memory_space<vmem>>
    %dma_start3A_166 = arith.constant 0 : i32
    %dma_start3A_167 = tpu.memref_slice %arg7[%dma_start3A_161, %dma_start3A_166] : memref<8x128xi32, #tpu.memory_space<vmem>> -> memref<1x128xi32, #tpu.memory_space<vmem>>
    %dma_start3A_168 = tpu.memref_squeeze %dma_start3A_167 : memref<1x128xi32, #tpu.memory_space<vmem>> -> memref<128xi32, #tpu.memory_space<vmem>>
    %dma_start3A_169 = arith.constant 0 : i32
    %dma_start3A_170 = tpu.memref_slice %arg2[%dma_start3A_169] : memref<1024000xf32, #tpu.memory_space<hbm>> -> memref<1024000xf32, #tpu.memory_space<hbm>>
    tpu.enqueue_indirect_dma source(%dma_start3A_170 : memref<1024000xf32, #tpu.memory_space<hbm>>) target(%dma_start3A_165 : memref<128xf32, #tpu.memory_space<vmem>>) offsets(%dma_start3A_168 : memref<128xi32, #tpu.memory_space<vmem>>) semaphore(%arg11 : memref<!tpu.dma_semaphore, #tpu.memory_space<semaphore_mem>>)
    %dma_start3A_171 = arith.constant 7 : i32
    %dma_start3A_172 = arith.constant 7 : i32
    %dma_start3A_173 = arith.constant 0 : i32
    %dma_start3A_174 = tpu.memref_slice %arg8[%dma_start3A_172, %dma_start3A_173] : memref<8x128xf32, #tpu.memory_space<vmem>> -> memref<1x128xf32, #tpu.memory_space<vmem>>
    %dma_start3A_175 = tpu.memref_squeeze %dma_start3A_174 : memref<1x128xf32, #tpu.memory_space<vmem>> -> memref<128xf32, #tpu.memory_space<vmem>>
    %dma_start3A_176 = arith.constant 0 : i32
    %dma_start3A_177 = tpu.memref_slice %arg6[%dma_start3A_171, %dma_start3A_176] : memref<8x128xi32, #tpu.memory_space<vmem>> -> memref<1x128xi32, #tpu.memory_space<vmem>>
    %dma_start3A_178 = tpu.memref_squeeze %dma_start3A_177 : memref<1x128xi32, #tpu.memory_space<vmem>> -> memref<128xi32, #tpu.memory_space<vmem>>
    %dma_start3A_179 = arith.constant 0 : i32
    %dma_start3A_180 = tpu.memref_slice %arg2[%dma_start3A_179] : memref<1024000xf32, #tpu.memory_space<hbm>> -> memref<1024000xf32, #tpu.memory_space<hbm>>
    tpu.enqueue_indirect_dma source(%dma_start3A_180 : memref<1024000xf32, #tpu.memory_space<hbm>>) target(%dma_start3A_175 : memref<128xf32, #tpu.memory_space<vmem>>) offsets(%dma_start3A_178 : memref<128xi32, #tpu.memory_space<vmem>>) semaphore(%arg11 : memref<!tpu.dma_semaphore, #tpu.memory_space<semaphore_mem>>)
    %dma_start3A_181 = arith.constant 7 : i32
    %dma_start3A_182 = arith.constant 7 : i32
    %dma_start3A_183 = arith.constant 0 : i32
    %dma_start3A_184 = tpu.memref_slice %arg9[%dma_start3A_182, %dma_start3A_183] : memref<8x128xf32, #tpu.memory_space<vmem>> -> memref<1x128xf32, #tpu.memory_space<vmem>>
    %dma_start3A_185 = tpu.memref_squeeze %dma_start3A_184 : memref<1x128xf32, #tpu.memory_space<vmem>> -> memref<128xf32, #tpu.memory_space<vmem>>
    %dma_start3A_186 = arith.constant 0 : i32
    %dma_start3A_187 = tpu.memref_slice %arg7[%dma_start3A_181, %dma_start3A_186] : memref<8x128xi32, #tpu.memory_space<vmem>> -> memref<1x128xi32, #tpu.memory_space<vmem>>
    %dma_start3A_188 = tpu.memref_squeeze %dma_start3A_187 : memref<1x128xi32, #tpu.memory_space<vmem>> -> memref<128xi32, #tpu.memory_space<vmem>>
    %dma_start3A_189 = arith.constant 0 : i32
    %dma_start3A_190 = tpu.memref_slice %arg2[%dma_start3A_189] : memref<1024000xf32, #tpu.memory_space<hbm>> -> memref<1024000xf32, #tpu.memory_space<hbm>>
    tpu.enqueue_indirect_dma source(%dma_start3A_190 : memref<1024000xf32, #tpu.memory_space<hbm>>) target(%dma_start3A_185 : memref<128xf32, #tpu.memory_space<vmem>>) offsets(%dma_start3A_188 : memref<128xi32, #tpu.memory_space<vmem>>) semaphore(%arg11 : memref<!tpu.dma_semaphore, #tpu.memory_space<semaphore_mem>>)
    %dma_wait3A_191 = arith.constant 0 : i32
    %dma_wait3A_192 = arith.constant 0 : i32
    %dma_wait3A_193 = arith.constant 0 : i32
    %dma_wait3A_194 = tpu.memref_slice %arg8[%dma_wait3A_192, %dma_wait3A_193] : memref<8x128xf32, #tpu.memory_space<vmem>> -> memref<1x128xf32, #tpu.memory_space<vmem>>
    %dma_wait3A_195 = tpu.memref_squeeze %dma_wait3A_194 : memref<1x128xf32, #tpu.memory_space<vmem>> -> memref<128xf32, #tpu.memory_space<vmem>>
    %dma_wait3A_196 = arith.constant 0 : i32
    %dma_wait3A_197 = tpu.memref_slice %arg6[%dma_wait3A_191, %dma_wait3A_196] : memref<8x128xi32, #tpu.memory_space<vmem>> -> memref<1x128xi32, #tpu.memory_space<vmem>>
    %dma_wait3A_198 = tpu.memref_squeeze %dma_wait3A_197 : memref<1x128xi32, #tpu.memory_space<vmem>> -> memref<128xi32, #tpu.memory_space<vmem>>
    %dma_wait3A_199 = arith.constant 0 : i32
    %dma_wait3A_200 = tpu.memref_slice %arg2[%dma_wait3A_199] : memref<1024000xf32, #tpu.memory_space<hbm>> -> memref<1024000xf32, #tpu.memory_space<hbm>>
    tpu.wait_indirect_dma semaphore(%arg11 : memref<!tpu.dma_semaphore, #tpu.memory_space<semaphore_mem>>) src(%dma_wait3A_200 : memref<1024000xf32, #tpu.memory_space<hbm>>) dst(%dma_wait3A_195 : memref<128xf32, #tpu.memory_space<vmem>>)
    %dma_wait3A_201 = arith.constant 0 : i32
    %dma_wait3A_202 = arith.constant 0 : i32
    %dma_wait3A_203 = arith.constant 0 : i32
    %dma_wait3A_204 = tpu.memref_slice %arg9[%dma_wait3A_202, %dma_wait3A_203] : memref<8x128xf32, #tpu.memory_space<vmem>> -> memref<1x128xf32, #tpu.memory_space<vmem>>
    %dma_wait3A_205 = tpu.memref_squeeze %dma_wait3A_204 : memref<1x128xf32, #tpu.memory_space<vmem>> -> memref<128xf32, #tpu.memory_space<vmem>>
    %dma_wait3A_206 = arith.constant 0 : i32
    %dma_wait3A_207 = tpu.memref_slice %arg7[%dma_wait3A_201, %dma_wait3A_206] : memref<8x128xi32, #tpu.memory_space<vmem>> -> memref<1x128xi32, #tpu.memory_space<vmem>>
    %dma_wait3A_208 = tpu.memref_squeeze %dma_wait3A_207 : memref<1x128xi32, #tpu.memory_space<vmem>> -> memref<128xi32, #tpu.memory_space<vmem>>
    %dma_wait3A_209 = arith.constant 0 : i32
    %dma_wait3A_210 = tpu.memref_slice %arg2[%dma_wait3A_209] : memref<1024000xf32, #tpu.memory_space<hbm>> -> memref<1024000xf32, #tpu.memory_space<hbm>>
    tpu.wait_indirect_dma semaphore(%arg11 : memref<!tpu.dma_semaphore, #tpu.memory_space<semaphore_mem>>) src(%dma_wait3A_210 : memref<1024000xf32, #tpu.memory_space<hbm>>) dst(%dma_wait3A_205 : memref<128xf32, #tpu.memory_space<vmem>>)
    %dma_wait3A_211 = arith.constant 1 : i32
    %dma_wait3A_212 = arith.constant 1 : i32
    %dma_wait3A_213 = arith.constant 0 : i32
    %dma_wait3A_214 = tpu.memref_slice %arg8[%dma_wait3A_212, %dma_wait3A_213] : memref<8x128xf32, #tpu.memory_space<vmem>> -> memref<1x128xf32, #tpu.memory_space<vmem>>
    %dma_wait3A_215 = tpu.memref_squeeze %dma_wait3A_214 : memref<1x128xf32, #tpu.memory_space<vmem>> -> memref<128xf32, #tpu.memory_space<vmem>>
    %dma_wait3A_216 = arith.constant 0 : i32
    %dma_wait3A_217 = tpu.memref_slice %arg6[%dma_wait3A_211, %dma_wait3A_216] : memref<8x128xi32, #tpu.memory_space<vmem>> -> memref<1x128xi32, #tpu.memory_space<vmem>>
    %dma_wait3A_218 = tpu.memref_squeeze %dma_wait3A_217 : memref<1x128xi32, #tpu.memory_space<vmem>> -> memref<128xi32, #tpu.memory_space<vmem>>
    %dma_wait3A_219 = arith.constant 0 : i32
    %dma_wait3A_220 = tpu.memref_slice %arg2[%dma_wait3A_219] : memref<1024000xf32, #tpu.memory_space<hbm>> -> memref<1024000xf32, #tpu.memory_space<hbm>>
    tpu.wait_indirect_dma semaphore(%arg11 : memref<!tpu.dma_semaphore, #tpu.memory_space<semaphore_mem>>) src(%dma_wait3A_220 : memref<1024000xf32, #tpu.memory_space<hbm>>) dst(%dma_wait3A_215 : memref<128xf32, #tpu.memory_space<vmem>>)
    %dma_wait3A_221 = arith.constant 1 : i32
    %dma_wait3A_222 = arith.constant 1 : i32
    %dma_wait3A_223 = arith.constant 0 : i32
    %dma_wait3A_224 = tpu.memref_slice %arg9[%dma_wait3A_222, %dma_wait3A_223] : memref<8x128xf32, #tpu.memory_space<vmem>> -> memref<1x128xf32, #tpu.memory_space<vmem>>
    %dma_wait3A_225 = tpu.memref_squeeze %dma_wait3A_224 : memref<1x128xf32, #tpu.memory_space<vmem>> -> memref<128xf32, #tpu.memory_space<vmem>>
    %dma_wait3A_226 = arith.constant 0 : i32
    %dma_wait3A_227 = tpu.memref_slice %arg7[%dma_wait3A_221, %dma_wait3A_226] : memref<8x128xi32, #tpu.memory_space<vmem>> -> memref<1x128xi32, #tpu.memory_space<vmem>>
    %dma_wait3A_228 = tpu.memref_squeeze %dma_wait3A_227 : memref<1x128xi32, #tpu.memory_space<vmem>> -> memref<128xi32, #tpu.memory_space<vmem>>
    %dma_wait3A_229 = arith.constant 0 : i32
    %dma_wait3A_230 = tpu.memref_slice %arg2[%dma_wait3A_229] : memref<1024000xf32, #tpu.memory_space<hbm>> -> memref<1024000xf32, #tpu.memory_space<hbm>>
    tpu.wait_indirect_dma semaphore(%arg11 : memref<!tpu.dma_semaphore, #tpu.memory_space<semaphore_mem>>) src(%dma_wait3A_230 : memref<1024000xf32, #tpu.memory_space<hbm>>) dst(%dma_wait3A_225 : memref<128xf32, #tpu.memory_space<vmem>>)
    %dma_wait3A_231 = arith.constant 2 : i32
    %dma_wait3A_232 = arith.constant 2 : i32
    %dma_wait3A_233 = arith.constant 0 : i32
    %dma_wait3A_234 = tpu.memref_slice %arg8[%dma_wait3A_232, %dma_wait3A_233] : memref<8x128xf32, #tpu.memory_space<vmem>> -> memref<1x128xf32, #tpu.memory_space<vmem>>
    %dma_wait3A_235 = tpu.memref_squeeze %dma_wait3A_234 : memref<1x128xf32, #tpu.memory_space<vmem>> -> memref<128xf32, #tpu.memory_space<vmem>>
    %dma_wait3A_236 = arith.constant 0 : i32
    %dma_wait3A_237 = tpu.memref_slice %arg6[%dma_wait3A_231, %dma_wait3A_236] : memref<8x128xi32, #tpu.memory_space<vmem>> -> memref<1x128xi32, #tpu.memory_space<vmem>>
    %dma_wait3A_238 = tpu.memref_squeeze %dma_wait3A_237 : memref<1x128xi32, #tpu.memory_space<vmem>> -> memref<128xi32, #tpu.memory_space<vmem>>
    %dma_wait3A_239 = arith.constant 0 : i32
    %dma_wait3A_240 = tpu.memref_slice %arg2[%dma_wait3A_239] : memref<1024000xf32, #tpu.memory_space<hbm>> -> memref<1024000xf32, #tpu.memory_space<hbm>>
    tpu.wait_indirect_dma semaphore(%arg11 : memref<!tpu.dma_semaphore, #tpu.memory_space<semaphore_mem>>) src(%dma_wait3A_240 : memref<1024000xf32, #tpu.memory_space<hbm>>) dst(%dma_wait3A_235 : memref<128xf32, #tpu.memory_space<vmem>>)
    %dma_wait3A_241 = arith.constant 2 : i32
    %dma_wait3A_242 = arith.constant 2 : i32
    %dma_wait3A_243 = arith.constant 0 : i32
    %dma_wait3A_244 = tpu.memref_slice %arg9[%dma_wait3A_242, %dma_wait3A_243] : memref<8x128xf32, #tpu.memory_space<vmem>> -> memref<1x128xf32, #tpu.memory_space<vmem>>
    %dma_wait3A_245 = tpu.memref_squeeze %dma_wait3A_244 : memref<1x128xf32, #tpu.memory_space<vmem>> -> memref<128xf32, #tpu.memory_space<vmem>>
    %dma_wait3A_246 = arith.constant 0 : i32
    %dma_wait3A_247 = tpu.memref_slice %arg7[%dma_wait3A_241, %dma_wait3A_246] : memref<8x128xi32, #tpu.memory_space<vmem>> -> memref<1x128xi32, #tpu.memory_space<vmem>>
    %dma_wait3A_248 = tpu.memref_squeeze %dma_wait3A_247 : memref<1x128xi32, #tpu.memory_space<vmem>> -> memref<128xi32, #tpu.memory_space<vmem>>
    %dma_wait3A_249 = arith.constant 0 : i32
    %dma_wait3A_250 = tpu.memref_slice %arg2[%dma_wait3A_249] : memref<1024000xf32, #tpu.memory_space<hbm>> -> memref<1024000xf32, #tpu.memory_space<hbm>>
    tpu.wait_indirect_dma semaphore(%arg11 : memref<!tpu.dma_semaphore, #tpu.memory_space<semaphore_mem>>) src(%dma_wait3A_250 : memref<1024000xf32, #tpu.memory_space<hbm>>) dst(%dma_wait3A_245 : memref<128xf32, #tpu.memory_space<vmem>>)
    %dma_wait3A_251 = arith.constant 3 : i32
    %dma_wait3A_252 = arith.constant 3 : i32
    %dma_wait3A_253 = arith.constant 0 : i32
    %dma_wait3A_254 = tpu.memref_slice %arg8[%dma_wait3A_252, %dma_wait3A_253] : memref<8x128xf32, #tpu.memory_space<vmem>> -> memref<1x128xf32, #tpu.memory_space<vmem>>
    %dma_wait3A_255 = tpu.memref_squeeze %dma_wait3A_254 : memref<1x128xf32, #tpu.memory_space<vmem>> -> memref<128xf32, #tpu.memory_space<vmem>>
    %dma_wait3A_256 = arith.constant 0 : i32
    %dma_wait3A_257 = tpu.memref_slice %arg6[%dma_wait3A_251, %dma_wait3A_256] : memref<8x128xi32, #tpu.memory_space<vmem>> -> memref<1x128xi32, #tpu.memory_space<vmem>>
    %dma_wait3A_258 = tpu.memref_squeeze %dma_wait3A_257 : memref<1x128xi32, #tpu.memory_space<vmem>> -> memref<128xi32, #tpu.memory_space<vmem>>
    %dma_wait3A_259 = arith.constant 0 : i32
    %dma_wait3A_260 = tpu.memref_slice %arg2[%dma_wait3A_259] : memref<1024000xf32, #tpu.memory_space<hbm>> -> memref<1024000xf32, #tpu.memory_space<hbm>>
    tpu.wait_indirect_dma semaphore(%arg11 : memref<!tpu.dma_semaphore, #tpu.memory_space<semaphore_mem>>) src(%dma_wait3A_260 : memref<1024000xf32, #tpu.memory_space<hbm>>) dst(%dma_wait3A_255 : memref<128xf32, #tpu.memory_space<vmem>>)
    %dma_wait3A_261 = arith.constant 3 : i32
    %dma_wait3A_262 = arith.constant 3 : i32
    %dma_wait3A_263 = arith.constant 0 : i32
    %dma_wait3A_264 = tpu.memref_slice %arg9[%dma_wait3A_262, %dma_wait3A_263] : memref<8x128xf32, #tpu.memory_space<vmem>> -> memref<1x128xf32, #tpu.memory_space<vmem>>
    %dma_wait3A_265 = tpu.memref_squeeze %dma_wait3A_264 : memref<1x128xf32, #tpu.memory_space<vmem>> -> memref<128xf32, #tpu.memory_space<vmem>>
    %dma_wait3A_266 = arith.constant 0 : i32
    %dma_wait3A_267 = tpu.memref_slice %arg7[%dma_wait3A_261, %dma_wait3A_266] : memref<8x128xi32, #tpu.memory_space<vmem>> -> memref<1x128xi32, #tpu.memory_space<vmem>>
    %dma_wait3A_268 = tpu.memref_squeeze %dma_wait3A_267 : memref<1x128xi32, #tpu.memory_space<vmem>> -> memref<128xi32, #tpu.memory_space<vmem>>
    %dma_wait3A_269 = arith.constant 0 : i32
    %dma_wait3A_270 = tpu.memref_slice %arg2[%dma_wait3A_269] : memref<1024000xf32, #tpu.memory_space<hbm>> -> memref<1024000xf32, #tpu.memory_space<hbm>>
    tpu.wait_indirect_dma semaphore(%arg11 : memref<!tpu.dma_semaphore, #tpu.memory_space<semaphore_mem>>) src(%dma_wait3A_270 : memref<1024000xf32, #tpu.memory_space<hbm>>) dst(%dma_wait3A_265 : memref<128xf32, #tpu.memory_space<vmem>>)
    %dma_wait3A_271 = arith.constant 4 : i32
    %dma_wait3A_272 = arith.constant 4 : i32
    %dma_wait3A_273 = arith.constant 0 : i32
    %dma_wait3A_274 = tpu.memref_slice %arg8[%dma_wait3A_272, %dma_wait3A_273] : memref<8x128xf32, #tpu.memory_space<vmem>> -> memref<1x128xf32, #tpu.memory_space<vmem>>
    %dma_wait3A_275 = tpu.memref_squeeze %dma_wait3A_274 : memref<1x128xf32, #tpu.memory_space<vmem>> -> memref<128xf32, #tpu.memory_space<vmem>>
    %dma_wait3A_276 = arith.constant 0 : i32
    %dma_wait3A_277 = tpu.memref_slice %arg6[%dma_wait3A_271, %dma_wait3A_276] : memref<8x128xi32, #tpu.memory_space<vmem>> -> memref<1x128xi32, #tpu.memory_space<vmem>>
    %dma_wait3A_278 = tpu.memref_squeeze %dma_wait3A_277 : memref<1x128xi32, #tpu.memory_space<vmem>> -> memref<128xi32, #tpu.memory_space<vmem>>
    %dma_wait3A_279 = arith.constant 0 : i32
    %dma_wait3A_280 = tpu.memref_slice %arg2[%dma_wait3A_279] : memref<1024000xf32, #tpu.memory_space<hbm>> -> memref<1024000xf32, #tpu.memory_space<hbm>>
    tpu.wait_indirect_dma semaphore(%arg11 : memref<!tpu.dma_semaphore, #tpu.memory_space<semaphore_mem>>) src(%dma_wait3A_280 : memref<1024000xf32, #tpu.memory_space<hbm>>) dst(%dma_wait3A_275 : memref<128xf32, #tpu.memory_space<vmem>>)
    %dma_wait3A_281 = arith.constant 4 : i32
    %dma_wait3A_282 = arith.constant 4 : i32
    %dma_wait3A_283 = arith.constant 0 : i32
    %dma_wait3A_284 = tpu.memref_slice %arg9[%dma_wait3A_282, %dma_wait3A_283] : memref<8x128xf32, #tpu.memory_space<vmem>> -> memref<1x128xf32, #tpu.memory_space<vmem>>
    %dma_wait3A_285 = tpu.memref_squeeze %dma_wait3A_284 : memref<1x128xf32, #tpu.memory_space<vmem>> -> memref<128xf32, #tpu.memory_space<vmem>>
    %dma_wait3A_286 = arith.constant 0 : i32
    %dma_wait3A_287 = tpu.memref_slice %arg7[%dma_wait3A_281, %dma_wait3A_286] : memref<8x128xi32, #tpu.memory_space<vmem>> -> memref<1x128xi32, #tpu.memory_space<vmem>>
    %dma_wait3A_288 = tpu.memref_squeeze %dma_wait3A_287 : memref<1x128xi32, #tpu.memory_space<vmem>> -> memref<128xi32, #tpu.memory_space<vmem>>
    %dma_wait3A_289 = arith.constant 0 : i32
    %dma_wait3A_290 = tpu.memref_slice %arg2[%dma_wait3A_289] : memref<1024000xf32, #tpu.memory_space<hbm>> -> memref<1024000xf32, #tpu.memory_space<hbm>>
    tpu.wait_indirect_dma semaphore(%arg11 : memref<!tpu.dma_semaphore, #tpu.memory_space<semaphore_mem>>) src(%dma_wait3A_290 : memref<1024000xf32, #tpu.memory_space<hbm>>) dst(%dma_wait3A_285 : memref<128xf32, #tpu.memory_space<vmem>>)
    %dma_wait3A_291 = arith.constant 5 : i32
    %dma_wait3A_292 = arith.constant 5 : i32
    %dma_wait3A_293 = arith.constant 0 : i32
    %dma_wait3A_294 = tpu.memref_slice %arg8[%dma_wait3A_292, %dma_wait3A_293] : memref<8x128xf32, #tpu.memory_space<vmem>> -> memref<1x128xf32, #tpu.memory_space<vmem>>
    %dma_wait3A_295 = tpu.memref_squeeze %dma_wait3A_294 : memref<1x128xf32, #tpu.memory_space<vmem>> -> memref<128xf32, #tpu.memory_space<vmem>>
    %dma_wait3A_296 = arith.constant 0 : i32
    %dma_wait3A_297 = tpu.memref_slice %arg6[%dma_wait3A_291, %dma_wait3A_296] : memref<8x128xi32, #tpu.memory_space<vmem>> -> memref<1x128xi32, #tpu.memory_space<vmem>>
    %dma_wait3A_298 = tpu.memref_squeeze %dma_wait3A_297 : memref<1x128xi32, #tpu.memory_space<vmem>> -> memref<128xi32, #tpu.memory_space<vmem>>
    %dma_wait3A_299 = arith.constant 0 : i32
    %dma_wait3A_300 = tpu.memref_slice %arg2[%dma_wait3A_299] : memref<1024000xf32, #tpu.memory_space<hbm>> -> memref<1024000xf32, #tpu.memory_space<hbm>>
    tpu.wait_indirect_dma semaphore(%arg11 : memref<!tpu.dma_semaphore, #tpu.memory_space<semaphore_mem>>) src(%dma_wait3A_300 : memref<1024000xf32, #tpu.memory_space<hbm>>) dst(%dma_wait3A_295 : memref<128xf32, #tpu.memory_space<vmem>>)
    %dma_wait3A_301 = arith.constant 5 : i32
    %dma_wait3A_302 = arith.constant 5 : i32
    %dma_wait3A_303 = arith.constant 0 : i32
    %dma_wait3A_304 = tpu.memref_slice %arg9[%dma_wait3A_302, %dma_wait3A_303] : memref<8x128xf32, #tpu.memory_space<vmem>> -> memref<1x128xf32, #tpu.memory_space<vmem>>
    %dma_wait3A_305 = tpu.memref_squeeze %dma_wait3A_304 : memref<1x128xf32, #tpu.memory_space<vmem>> -> memref<128xf32, #tpu.memory_space<vmem>>
    %dma_wait3A_306 = arith.constant 0 : i32
    %dma_wait3A_307 = tpu.memref_slice %arg7[%dma_wait3A_301, %dma_wait3A_306] : memref<8x128xi32, #tpu.memory_space<vmem>> -> memref<1x128xi32, #tpu.memory_space<vmem>>
    %dma_wait3A_308 = tpu.memref_squeeze %dma_wait3A_307 : memref<1x128xi32, #tpu.memory_space<vmem>> -> memref<128xi32, #tpu.memory_space<vmem>>
    %dma_wait3A_309 = arith.constant 0 : i32
    %dma_wait3A_310 = tpu.memref_slice %arg2[%dma_wait3A_309] : memref<1024000xf32, #tpu.memory_space<hbm>> -> memref<1024000xf32, #tpu.memory_space<hbm>>
    tpu.wait_indirect_dma semaphore(%arg11 : memref<!tpu.dma_semaphore, #tpu.memory_space<semaphore_mem>>) src(%dma_wait3A_310 : memref<1024000xf32, #tpu.memory_space<hbm>>) dst(%dma_wait3A_305 : memref<128xf32, #tpu.memory_space<vmem>>)
    %dma_wait3A_311 = arith.constant 6 : i32
    %dma_wait3A_312 = arith.constant 6 : i32
    %dma_wait3A_313 = arith.constant 0 : i32
    %dma_wait3A_314 = tpu.memref_slice %arg8[%dma_wait3A_312, %dma_wait3A_313] : memref<8x128xf32, #tpu.memory_space<vmem>> -> memref<1x128xf32, #tpu.memory_space<vmem>>
    %dma_wait3A_315 = tpu.memref_squeeze %dma_wait3A_314 : memref<1x128xf32, #tpu.memory_space<vmem>> -> memref<128xf32, #tpu.memory_space<vmem>>
    %dma_wait3A_316 = arith.constant 0 : i32
    %dma_wait3A_317 = tpu.memref_slice %arg6[%dma_wait3A_311, %dma_wait3A_316] : memref<8x128xi32, #tpu.memory_space<vmem>> -> memref<1x128xi32, #tpu.memory_space<vmem>>
    %dma_wait3A_318 = tpu.memref_squeeze %dma_wait3A_317 : memref<1x128xi32, #tpu.memory_space<vmem>> -> memref<128xi32, #tpu.memory_space<vmem>>
    %dma_wait3A_319 = arith.constant 0 : i32
    %dma_wait3A_320 = tpu.memref_slice %arg2[%dma_wait3A_319] : memref<1024000xf32, #tpu.memory_space<hbm>> -> memref<1024000xf32, #tpu.memory_space<hbm>>
    tpu.wait_indirect_dma semaphore(%arg11 : memref<!tpu.dma_semaphore, #tpu.memory_space<semaphore_mem>>) src(%dma_wait3A_320 : memref<1024000xf32, #tpu.memory_space<hbm>>) dst(%dma_wait3A_315 : memref<128xf32, #tpu.memory_space<vmem>>)
    %dma_wait3A_321 = arith.constant 6 : i32
    %dma_wait3A_322 = arith.constant 6 : i32
    %dma_wait3A_323 = arith.constant 0 : i32
    %dma_wait3A_324 = tpu.memref_slice %arg9[%dma_wait3A_322, %dma_wait3A_323] : memref<8x128xf32, #tpu.memory_space<vmem>> -> memref<1x128xf32, #tpu.memory_space<vmem>>
    %dma_wait3A_325 = tpu.memref_squeeze %dma_wait3A_324 : memref<1x128xf32, #tpu.memory_space<vmem>> -> memref<128xf32, #tpu.memory_space<vmem>>
    %dma_wait3A_326 = arith.constant 0 : i32
    %dma_wait3A_327 = tpu.memref_slice %arg7[%dma_wait3A_321, %dma_wait3A_326] : memref<8x128xi32, #tpu.memory_space<vmem>> -> memref<1x128xi32, #tpu.memory_space<vmem>>
    %dma_wait3A_328 = tpu.memref_squeeze %dma_wait3A_327 : memref<1x128xi32, #tpu.memory_space<vmem>> -> memref<128xi32, #tpu.memory_space<vmem>>
    %dma_wait3A_329 = arith.constant 0 : i32
    %dma_wait3A_330 = tpu.memref_slice %arg2[%dma_wait3A_329] : memref<1024000xf32, #tpu.memory_space<hbm>> -> memref<1024000xf32, #tpu.memory_space<hbm>>
    tpu.wait_indirect_dma semaphore(%arg11 : memref<!tpu.dma_semaphore, #tpu.memory_space<semaphore_mem>>) src(%dma_wait3A_330 : memref<1024000xf32, #tpu.memory_space<hbm>>) dst(%dma_wait3A_325 : memref<128xf32, #tpu.memory_space<vmem>>)
    %dma_wait3A_331 = arith.constant 7 : i32
    %dma_wait3A_332 = arith.constant 7 : i32
    %dma_wait3A_333 = arith.constant 0 : i32
    %dma_wait3A_334 = tpu.memref_slice %arg8[%dma_wait3A_332, %dma_wait3A_333] : memref<8x128xf32, #tpu.memory_space<vmem>> -> memref<1x128xf32, #tpu.memory_space<vmem>>
    %dma_wait3A_335 = tpu.memref_squeeze %dma_wait3A_334 : memref<1x128xf32, #tpu.memory_space<vmem>> -> memref<128xf32, #tpu.memory_space<vmem>>
    %dma_wait3A_336 = arith.constant 0 : i32
    %dma_wait3A_337 = tpu.memref_slice %arg6[%dma_wait3A_331, %dma_wait3A_336] : memref<8x128xi32, #tpu.memory_space<vmem>> -> memref<1x128xi32, #tpu.memory_space<vmem>>
    %dma_wait3A_338 = tpu.memref_squeeze %dma_wait3A_337 : memref<1x128xi32, #tpu.memory_space<vmem>> -> memref<128xi32, #tpu.memory_space<vmem>>
    %dma_wait3A_339 = arith.constant 0 : i32
    %dma_wait3A_340 = tpu.memref_slice %arg2[%dma_wait3A_339] : memref<1024000xf32, #tpu.memory_space<hbm>> -> memref<1024000xf32, #tpu.memory_space<hbm>>
    tpu.wait_indirect_dma semaphore(%arg11 : memref<!tpu.dma_semaphore, #tpu.memory_space<semaphore_mem>>) src(%dma_wait3A_340 : memref<1024000xf32, #tpu.memory_space<hbm>>) dst(%dma_wait3A_335 : memref<128xf32, #tpu.memory_space<vmem>>)
    %dma_wait3A_341 = arith.constant 7 : i32
    %dma_wait3A_342 = arith.constant 7 : i32
    %dma_wait3A_343 = arith.constant 0 : i32
    %dma_wait3A_344 = tpu.memref_slice %arg9[%dma_wait3A_342, %dma_wait3A_343] : memref<8x128xf32, #tpu.memory_space<vmem>> -> memref<1x128xf32, #tpu.memory_space<vmem>>
    %dma_wait3A_345 = tpu.memref_squeeze %dma_wait3A_344 : memref<1x128xf32, #tpu.memory_space<vmem>> -> memref<128xf32, #tpu.memory_space<vmem>>
    %dma_wait3A_346 = arith.constant 0 : i32
    %dma_wait3A_347 = tpu.memref_slice %arg7[%dma_wait3A_341, %dma_wait3A_346] : memref<8x128xi32, #tpu.memory_space<vmem>> -> memref<1x128xi32, #tpu.memory_space<vmem>>
    %dma_wait3A_348 = tpu.memref_squeeze %dma_wait3A_347 : memref<1x128xi32, #tpu.memory_space<vmem>> -> memref<128xi32, #tpu.memory_space<vmem>>
    %dma_wait3A_349 = arith.constant 0 : i32
    %dma_wait3A_350 = tpu.memref_slice %arg2[%dma_wait3A_349] : memref<1024000xf32, #tpu.memory_space<hbm>> -> memref<1024000xf32, #tpu.memory_space<hbm>>
    tpu.wait_indirect_dma semaphore(%arg11 : memref<!tpu.dma_semaphore, #tpu.memory_space<semaphore_mem>>) src(%dma_wait3A_350 : memref<1024000xf32, #tpu.memory_space<hbm>>) dst(%dma_wait3A_345 : memref<128xf32, #tpu.memory_space<vmem>>)
    %get3A = arith.constant 0 : i32
    %get3A_351 = arith.index_cast %get3A : i32 to index
    %get3A_352 = arith.constant 0 : index
    %get3A_353 = tpu.vector_load %arg8[%get3A_351, %get3A_352] {strides = array<i32>} : memref<8x128xf32, #tpu.memory_space<vmem>>, vector<1x16xf32>,
    %get3A_354 = vector.shape_cast %get3A_353 : vector<1x16xf32> to vector<16xf32>
    %get3A_355 = arith.constant 0 : i32
    %get3A_356 = arith.index_cast %get3A_355 : i32 to index
    %get3A_357 = arith.constant 0 : index
    %get3A_358 = tpu.vector_load %arg9[%get3A_356, %get3A_357] {strides = array<i32>} : memref<8x128xf32, #tpu.memory_space<vmem>>, vector<1x16xf32>,
    %get3A_359 = vector.shape_cast %get3A_358 : vector<1x16xf32> to vector<16xf32>
    %sub3A = arith.subf %get3A_354, %get3A_359 : vector<16xf32>
    %swap3A = arith.constant 0 : i32
    %swap3A_360 = arith.index_cast %swap3A : i32 to index
    %swap3A_361 = arith.constant 0 : index
    %swap3A_362 = tpu.vector_load %arg10[%swap3A_360, %swap3A_361] {strides = array<i32>} : memref<8x128xf32, #tpu.memory_space<vmem>>, vector<1x16xf32>,
    %swap3A_363 = vector.shape_cast %swap3A_362 : vector<1x16xf32> to vector<16xf32>
    %swap3A_364 = vector.shape_cast %sub3A : vector<16xf32> to vector<1x16xf32>
    tpu.vector_store %arg10[%swap3A_360, %swap3A_361], %swap3A_364 {strides = array<i32>} : memref<8x128xf32, #tpu.memory_space<vmem>>, vector<1x16xf32>,
    %get3A_365 = arith.constant 0 : i32
    %get3A_366 = arith.index_cast %get3A_365 : i32 to index
    %get3A_367 = arith.constant 16 : index
    %get3A_368 = tpu.vector_load %arg8[%get3A_366, %get3A_367] {strides = array<i32>} : memref<8x128xf32, #tpu.memory_space<vmem>>, vector<1x16xf32>,
    %get3A_369 = vector.shape_cast %get3A_368 : vector<1x16xf32> to vector<16xf32>
    %get3A_370 = arith.constant 0 : i32
    %get3A_371 = arith.index_cast %get3A_370 : i32 to index
    %get3A_372 = arith.constant 16 : index
    %get3A_373 = tpu.vector_load %arg9[%get3A_371, %get3A_372] {strides = array<i32>} : memref<8x128xf32, #tpu.memory_space<vmem>>, vector<1x16xf32>,
    %get3A_374 = vector.shape_cast %get3A_373 : vector<1x16xf32> to vector<16xf32>
    %sub3A_375 = arith.subf %get3A_369, %get3A_374 : vector<16xf32>
    %swap3A_376 = arith.constant 0 : i32
    %swap3A_377 = arith.index_cast %swap3A_376 : i32 to index
    %swap3A_378 = arith.constant 16 : index
    %swap3A_379 = tpu.vector_load %arg10[%swap3A_377, %swap3A_378] {strides = array<i32>} : memref<8x128xf32, #tpu.memory_space<vmem>>, vector<1x16xf32>,
    %swap3A_380 = vector.shape_cast %swap3A_379 : vector<1x16xf32> to vector<16xf32>
    %swap3A_381 = vector.shape_cast %sub3A_375 : vector<16xf32> to vector<1x16xf32>
    tpu.vector_store %arg10[%swap3A_377, %swap3A_378], %swap3A_381 {strides = array<i32>} : memref<8x128xf32, #tpu.memory_space<vmem>>, vector<1x16xf32>,
    %get3A_382 = arith.constant 0 : i32
    %get3A_383 = arith.index_cast %get3A_382 : i32 to index
    %get3A_384 = arith.constant 32 : index
    %get3A_385 = tpu.vector_load %arg8[%get3A_383, %get3A_384] {strides = array<i32>} : memref<8x128xf32, #tpu.memory_space<vmem>>, vector<1x16xf32>,
    %get3A_386 = vector.shape_cast %get3A_385 : vector<1x16xf32> to vector<16xf32>
    %get3A_387 = arith.constant 0 : i32
    %get3A_388 = arith.index_cast %get3A_387 : i32 to index
    %get3A_389 = arith.constant 32 : index
    %get3A_390 = tpu.vector_load %arg9[%get3A_388, %get3A_389] {strides = array<i32>} : memref<8x128xf32, #tpu.memory_space<vmem>>, vector<1x16xf32>,
    %get3A_391 = vector.shape_cast %get3A_390 : vector<1x16xf32> to vector<16xf32>
    %sub3A_392 = arith.subf %get3A_386, %get3A_391 : vector<16xf32>
    %swap3A_393 = arith.constant 0 : i32
    %swap3A_394 = arith.index_cast %swap3A_393 : i32 to index
    %swap3A_395 = arith.constant 32 : index
    %swap3A_396 = tpu.vector_load %arg10[%swap3A_394, %swap3A_395] {strides = array<i32>} : memref<8x128xf32, #tpu.memory_space<vmem>>, vector<1x16xf32>,
    %swap3A_397 = vector.shape_cast %swap3A_396 : vector<1x16xf32> to vector<16xf32>
    %swap3A_398 = vector.shape_cast %sub3A_392 : vector<16xf32> to vector<1x16xf32>
    tpu.vector_store %arg10[%swap3A_394, %swap3A_395], %swap3A_398 {strides = array<i32>} : memref<8x128xf32, #tpu.memory_space<vmem>>, vector<1x16xf32>,
    %get3A_399 = arith.constant 0 : i32
    %get3A_400 = arith.index_cast %get3A_399 : i32 to index
    %get3A_401 = arith.constant 48 : index
    %get3A_402 = tpu.vector_load %arg8[%get3A_400, %get3A_401] {strides = array<i32>} : memref<8x128xf32, #tpu.memory_space<vmem>>, vector<1x16xf32>,
    %get3A_403 = vector.shape_cast %get3A_402 : vector<1x16xf32> to vector<16xf32>
    %get3A_404 = arith.constant 0 : i32
    %get3A_405 = arith.index_cast %get3A_404 : i32 to index
    %get3A_406 = arith.constant 48 : index
    %get3A_407 = tpu.vector_load %arg9[%get3A_405, %get3A_406] {strides = array<i32>} : memref<8x128xf32, #tpu.memory_space<vmem>>, vector<1x16xf32>,
    %get3A_408 = vector.shape_cast %get3A_407 : vector<1x16xf32> to vector<16xf32>
    %sub3A_409 = arith.subf %get3A_403, %get3A_408 : vector<16xf32>
    %swap3A_410 = arith.constant 0 : i32
    %swap3A_411 = arith.index_cast %swap3A_410 : i32 to index
    %swap3A_412 = arith.constant 48 : index
    %swap3A_413 = tpu.vector_load %arg10[%swap3A_411, %swap3A_412] {strides = array<i32>} : memref<8x128xf32, #tpu.memory_space<vmem>>, vector<1x16xf32>,
    %swap3A_414 = vector.shape_cast %swap3A_413 : vector<1x16xf32> to vector<16xf32>
    %swap3A_415 = vector.shape_cast %sub3A_409 : vector<16xf32> to vector<1x16xf32>
    tpu.vector_store %arg10[%swap3A_411, %swap3A_412], %swap3A_415 {strides = array<i32>} : memref<8x128xf32, #tpu.memory_space<vmem>>, vector<1x16xf32>,
    %get3A_416 = arith.constant 0 : i32
    %get3A_417 = arith.index_cast %get3A_416 : i32 to index
    %get3A_418 = arith.constant 64 : index
    %get3A_419 = tpu.vector_load %arg8[%get3A_417, %get3A_418] {strides = array<i32>} : memref<8x128xf32, #tpu.memory_space<vmem>>, vector<1x16xf32>,
    %get3A_420 = vector.shape_cast %get3A_419 : vector<1x16xf32> to vector<16xf32>
    %get3A_421 = arith.constant 0 : i32
    %get3A_422 = arith.index_cast %get3A_421 : i32 to index
    %get3A_423 = arith.constant 64 : index
    %get3A_424 = tpu.vector_load %arg9[%get3A_422, %get3A_423] {strides = array<i32>} : memref<8x128xf32, #tpu.memory_space<vmem>>, vector<1x16xf32>,
    %get3A_425 = vector.shape_cast %get3A_424 : vector<1x16xf32> to vector<16xf32>
    %sub3A_426 = arith.subf %get3A_420, %get3A_425 : vector<16xf32>
    %swap3A_427 = arith.constant 0 : i32
    %swap3A_428 = arith.index_cast %swap3A_427 : i32 to index
    %swap3A_429 = arith.constant 64 : index
    %swap3A_430 = tpu.vector_load %arg10[%swap3A_428, %swap3A_429] {strides = array<i32>} : memref<8x128xf32, #tpu.memory_space<vmem>>, vector<1x16xf32>,
    %swap3A_431 = vector.shape_cast %swap3A_430 : vector<1x16xf32> to vector<16xf32>
    %swap3A_432 = vector.shape_cast %sub3A_426 : vector<16xf32> to vector<1x16xf32>
    tpu.vector_store %arg10[%swap3A_428, %swap3A_429], %swap3A_432 {strides = array<i32>} : memref<8x128xf32, #tpu.memory_space<vmem>>, vector<1x16xf32>,
    %get3A_433 = arith.constant 0 : i32
    %get3A_434 = arith.index_cast %get3A_433 : i32 to index
    %get3A_435 = arith.constant 80 : index
    %get3A_436 = tpu.vector_load %arg8[%get3A_434, %get3A_435] {strides = array<i32>} : memref<8x128xf32, #tpu.memory_space<vmem>>, vector<1x16xf32>,
    %get3A_437 = vector.shape_cast %get3A_436 : vector<1x16xf32> to vector<16xf32>
    %get3A_438 = arith.constant 0 : i32
    %get3A_439 = arith.index_cast %get3A_438 : i32 to index
    %get3A_440 = arith.constant 80 : index
    %get3A_441 = tpu.vector_load %arg9[%get3A_439, %get3A_440] {strides = array<i32>} : memref<8x128xf32, #tpu.memory_space<vmem>>, vector<1x16xf32>,
    %get3A_442 = vector.shape_cast %get3A_441 : vector<1x16xf32> to vector<16xf32>
    %sub3A_443 = arith.subf %get3A_437, %get3A_442 : vector<16xf32>
    %swap3A_444 = arith.constant 0 : i32
    %swap3A_445 = arith.index_cast %swap3A_444 : i32 to index
    %swap3A_446 = arith.constant 80 : index
    %swap3A_447 = tpu.vector_load %arg10[%swap3A_445, %swap3A_446] {strides = array<i32>} : memref<8x128xf32, #tpu.memory_space<vmem>>, vector<1x16xf32>,
    %swap3A_448 = vector.shape_cast %swap3A_447 : vector<1x16xf32> to vector<16xf32>
    %swap3A_449 = vector.shape_cast %sub3A_443 : vector<16xf32> to vector<1x16xf32>
    tpu.vector_store %arg10[%swap3A_445, %swap3A_446], %swap3A_449 {strides = array<i32>} : memref<8x128xf32, #tpu.memory_space<vmem>>, vector<1x16xf32>,
    %get3A_450 = arith.constant 0 : i32
    %get3A_451 = arith.index_cast %get3A_450 : i32 to index
    %get3A_452 = arith.constant 96 : index
    %get3A_453 = tpu.vector_load %arg8[%get3A_451, %get3A_452] {strides = array<i32>} : memref<8x128xf32, #tpu.memory_space<vmem>>, vector<1x16xf32>,
    %get3A_454 = vector.shape_cast %get3A_453 : vector<1x16xf32> to vector<16xf32>
    %get3A_455 = arith.constant 0 : i32
    %get3A_456 = arith.index_cast %get3A_455 : i32 to index
    %get3A_457 = arith.constant 96 : index
    %get3A_458 = tpu.vector_load %arg9[%get3A_456, %get3A_457] {strides = array<i32>} : memref<8x128xf32, #tpu.memory_space<vmem>>, vector<1x16xf32>,
    %get3A_459 = vector.shape_cast %get3A_458 : vector<1x16xf32> to vector<16xf32>
    %sub3A_460 = arith.subf %get3A_454, %get3A_459 : vector<16xf32>
    %swap3A_461 = arith.constant 0 : i32
    %swap3A_462 = arith.index_cast %swap3A_461 : i32 to index
    %swap3A_463 = arith.constant 96 : index
    %swap3A_464 = tpu.vector_load %arg10[%swap3A_462, %swap3A_463] {strides = array<i32>} : memref<8x128xf32, #tpu.memory_space<vmem>>, vector<1x16xf32>,
    %swap3A_465 = vector.shape_cast %swap3A_464 : vector<1x16xf32> to vector<16xf32>
    %swap3A_466 = vector.shape_cast %sub3A_460 : vector<16xf32> to vector<1x16xf32>
    tpu.vector_store %arg10[%swap3A_462, %swap3A_463], %swap3A_466 {strides = array<i32>} : memref<8x128xf32, #tpu.memory_space<vmem>>, vector<1x16xf32>,
    %get3A_467 = arith.constant 0 : i32
    %get3A_468 = arith.index_cast %get3A_467 : i32 to index
    %get3A_469 = arith.constant 112 : index
    %get3A_470 = tpu.vector_load %arg8[%get3A_468, %get3A_469] {strides = array<i32>} : memref<8x128xf32, #tpu.memory_space<vmem>>, vector<1x16xf32>,
    %get3A_471 = vector.shape_cast %get3A_470 : vector<1x16xf32> to vector<16xf32>
    %get3A_472 = arith.constant 0 : i32
    %get3A_473 = arith.index_cast %get3A_472 : i32 to index
    %get3A_474 = arith.constant 112 : index
    %get3A_475 = tpu.vector_load %arg9[%get3A_473, %get3A_474] {strides = array<i32>} : memref<8x128xf32, #tpu.memory_space<vmem>>, vector<1x16xf32>,
    %get3A_476 = vector.shape_cast %get3A_475 : vector<1x16xf32> to vector<16xf32>
    %sub3A_477 = arith.subf %get3A_471, %get3A_476 : vector<16xf32>
    %swap3A_478 = arith.constant 0 : i32
    %swap3A_479 = arith.index_cast %swap3A_478 : i32 to index
    %swap3A_480 = arith.constant 112 : index
    %swap3A_481 = tpu.vector_load %arg10[%swap3A_479, %swap3A_480] {strides = array<i32>} : memref<8x128xf32, #tpu.memory_space<vmem>>, vector<1x16xf32>,
    %swap3A_482 = vector.shape_cast %swap3A_481 : vector<1x16xf32> to vector<16xf32>
    %swap3A_483 = vector.shape_cast %sub3A_477 : vector<16xf32> to vector<1x16xf32>
    tpu.vector_store %arg10[%swap3A_479, %swap3A_480], %swap3A_483 {strides = array<i32>} : memref<8x128xf32, #tpu.memory_space<vmem>>, vector<1x16xf32>,
    %get3A_484 = arith.constant 1 : i32
    %get3A_485 = arith.index_cast %get3A_484 : i32 to index
    %get3A_486 = arith.constant 0 : index
    %get3A_487 = tpu.vector_load %arg8[%get3A_485, %get3A_486] {strides = array<i32>} : memref<8x128xf32, #tpu.memory_space<vmem>>, vector<1x16xf32>,
    %get3A_488 = vector.shape_cast %get3A_487 : vector<1x16xf32> to vector<16xf32>
    %get3A_489 = arith.constant 1 : i32
    %get3A_490 = arith.index_cast %get3A_489 : i32 to index
    %get3A_491 = arith.constant 0 : index
    %get3A_492 = tpu.vector_load %arg9[%get3A_490, %get3A_491] {strides = array<i32>} : memref<8x128xf32, #tpu.memory_space<vmem>>, vector<1x16xf32>,
    %get3A_493 = vector.shape_cast %get3A_492 : vector<1x16xf32> to vector<16xf32>
    %sub3A_494 = arith.subf %get3A_488, %get3A_493 : vector<16xf32>
    %swap3A_495 = arith.constant 1 : i32
    %swap3A_496 = arith.index_cast %swap3A_495 : i32 to index
    %swap3A_497 = arith.constant 0 : index
    %swap3A_498 = tpu.vector_load %arg10[%swap3A_496, %swap3A_497] {strides = array<i32>} : memref<8x128xf32, #tpu.memory_space<vmem>>, vector<1x16xf32>,
    %swap3A_499 = vector.shape_cast %swap3A_498 : vector<1x16xf32> to vector<16xf32>
    %swap3A_500 = vector.shape_cast %sub3A_494 : vector<16xf32> to vector<1x16xf32>
    tpu.vector_store %arg10[%swap3A_496, %swap3A_497], %swap3A_500 {strides = array<i32>} : memref<8x128xf32, #tpu.memory_space<vmem>>, vector<1x16xf32>,
    %get3A_501 = arith.constant 1 : i32
    %get3A_502 = arith.index_cast %get3A_501 : i32 to index
    %get3A_503 = arith.constant 16 : index
    %get3A_504 = tpu.vector_load %arg8[%get3A_502, %get3A_503] {strides = array<i32>} : memref<8x128xf32, #tpu.memory_space<vmem>>, vector<1x16xf32>,
    %get3A_505 = vector.shape_cast %get3A_504 : vector<1x16xf32> to vector<16xf32>
    %get3A_506 = arith.constant 1 : i32
    %get3A_507 = arith.index_cast %get3A_506 : i32 to index
    %get3A_508 = arith.constant 16 : index
    %get3A_509 = tpu.vector_load %arg9[%get3A_507, %get3A_508] {strides = array<i32>} : memref<8x128xf32, #tpu.memory_space<vmem>>, vector<1x16xf32>,
    %get3A_510 = vector.shape_cast %get3A_509 : vector<1x16xf32> to vector<16xf32>
    %sub3A_511 = arith.subf %get3A_505, %get3A_510 : vector<16xf32>
    %swap3A_512 = arith.constant 1 : i32
    %swap3A_513 = arith.index_cast %swap3A_512 : i32 to index
    %swap3A_514 = arith.constant 16 : index
    %swap3A_515 = tpu.vector_load %arg10[%swap3A_513, %swap3A_514] {strides = array<i32>} : memref<8x128xf32, #tpu.memory_space<vmem>>, vector<1x16xf32>,
    %swap3A_516 = vector.shape_cast %swap3A_515 : vector<1x16xf32> to vector<16xf32>
    %swap3A_517 = vector.shape_cast %sub3A_511 : vector<16xf32> to vector<1x16xf32>
    tpu.vector_store %arg10[%swap3A_513, %swap3A_514], %swap3A_517 {strides = array<i32>} : memref<8x128xf32, #tpu.memory_space<vmem>>, vector<1x16xf32>,
    %get3A_518 = arith.constant 1 : i32
    %get3A_519 = arith.index_cast %get3A_518 : i32 to index
    %get3A_520 = arith.constant 32 : index
    %get3A_521 = tpu.vector_load %arg8[%get3A_519, %get3A_520] {strides = array<i32>} : memref<8x128xf32, #tpu.memory_space<vmem>>, vector<1x16xf32>,
    %get3A_522 = vector.shape_cast %get3A_521 : vector<1x16xf32> to vector<16xf32>
    %get3A_523 = arith.constant 1 : i32
    %get3A_524 = arith.index_cast %get3A_523 : i32 to index
    %get3A_525 = arith.constant 32 : index
    %get3A_526 = tpu.vector_load %arg9[%get3A_524, %get3A_525] {strides = array<i32>} : memref<8x128xf32, #tpu.memory_space<vmem>>, vector<1x16xf32>,
    %get3A_527 = vector.shape_cast %get3A_526 : vector<1x16xf32> to vector<16xf32>
    %sub3A_528 = arith.subf %get3A_522, %get3A_527 : vector<16xf32>
    %swap3A_529 = arith.constant 1 : i32
    %swap3A_530 = arith.index_cast %swap3A_529 : i32 to index
    %swap3A_531 = arith.constant 32 : index
    %swap3A_532 = tpu.vector_load %arg10[%swap3A_530, %swap3A_531] {strides = array<i32>} : memref<8x128xf32, #tpu.memory_space<vmem>>, vector<1x16xf32>,
    %swap3A_533 = vector.shape_cast %swap3A_532 : vector<1x16xf32> to vector<16xf32>
    %swap3A_534 = vector.shape_cast %sub3A_528 : vector<16xf32> to vector<1x16xf32>
    tpu.vector_store %arg10[%swap3A_530, %swap3A_531], %swap3A_534 {strides = array<i32>} : memref<8x128xf32, #tpu.memory_space<vmem>>, vector<1x16xf32>,
    %get3A_535 = arith.constant 1 : i32
    %get3A_536 = arith.index_cast %get3A_535 : i32 to index
    %get3A_537 = arith.constant 48 : index
    %get3A_538 = tpu.vector_load %arg8[%get3A_536, %get3A_537] {strides = array<i32>} : memref<8x128xf32, #tpu.memory_space<vmem>>, vector<1x16xf32>,
    %get3A_539 = vector.shape_cast %get3A_538 : vector<1x16xf32> to vector<16xf32>
    %get3A_540 = arith.constant 1 : i32
    %get3A_541 = arith.index_cast %get3A_540 : i32 to index
    %get3A_542 = arith.constant 48 : index
    %get3A_543 = tpu.vector_load %arg9[%get3A_541, %get3A_542] {strides = array<i32>} : memref<8x128xf32, #tpu.memory_space<vmem>>, vector<1x16xf32>,
    %get3A_544 = vector.shape_cast %get3A_543 : vector<1x16xf32> to vector<16xf32>
    %sub3A_545 = arith.subf %get3A_539, %get3A_544 : vector<16xf32>
    %swap3A_546 = arith.constant 1 : i32
    %swap3A_547 = arith.index_cast %swap3A_546 : i32 to index
    %swap3A_548 = arith.constant 48 : index
    %swap3A_549 = tpu.vector_load %arg10[%swap3A_547, %swap3A_548] {strides = array<i32>} : memref<8x128xf32, #tpu.memory_space<vmem>>, vector<1x16xf32>,
    %swap3A_550 = vector.shape_cast %swap3A_549 : vector<1x16xf32> to vector<16xf32>
    %swap3A_551 = vector.shape_cast %sub3A_545 : vector<16xf32> to vector<1x16xf32>
    tpu.vector_store %arg10[%swap3A_547, %swap3A_548], %swap3A_551 {strides = array<i32>} : memref<8x128xf32, #tpu.memory_space<vmem>>, vector<1x16xf32>,
    %get3A_552 = arith.constant 1 : i32
    %get3A_553 = arith.index_cast %get3A_552 : i32 to index
    %get3A_554 = arith.constant 64 : index
    %get3A_555 = tpu.vector_load %arg8[%get3A_553, %get3A_554] {strides = array<i32>} : memref<8x128xf32, #tpu.memory_space<vmem>>, vector<1x16xf32>,
    %get3A_556 = vector.shape_cast %get3A_555 : vector<1x16xf32> to vector<16xf32>
    %get3A_557 = arith.constant 1 : i32
    %get3A_558 = arith.index_cast %get3A_557 : i32 to index
    %get3A_559 = arith.constant 64 : index
    %get3A_560 = tpu.vector_load %arg9[%get3A_558, %get3A_559] {strides = array<i32>} : memref<8x128xf32, #tpu.memory_space<vmem>>, vector<1x16xf32>,
    %get3A_561 = vector.shape_cast %get3A_560 : vector<1x16xf32> to vector<16xf32>
    %sub3A_562 = arith.subf %get3A_556, %get3A_561 : vector<16xf32>
    %swap3A_563 = arith.constant 1 : i32
    %swap3A_564 = arith.index_cast %swap3A_563 : i32 to index
    %swap3A_565 = arith.constant 64 : index
    %swap3A_566 = tpu.vector_load %arg10[%swap3A_564, %swap3A_565] {strides = array<i32>} : memref<8x128xf32, #tpu.memory_space<vmem>>, vector<1x16xf32>,
    %swap3A_567 = vector.shape_cast %swap3A_566 : vector<1x16xf32> to vector<16xf32>
    %swap3A_568 = vector.shape_cast %sub3A_562 : vector<16xf32> to vector<1x16xf32>
    tpu.vector_store %arg10[%swap3A_564, %swap3A_565], %swap3A_568 {strides = array<i32>} : memref<8x128xf32, #tpu.memory_space<vmem>>, vector<1x16xf32>,
    %get3A_569 = arith.constant 1 : i32
    %get3A_570 = arith.index_cast %get3A_569 : i32 to index
    %get3A_571 = arith.constant 80 : index
    %get3A_572 = tpu.vector_load %arg8[%get3A_570, %get3A_571] {strides = array<i32>} : memref<8x128xf32, #tpu.memory_space<vmem>>, vector<1x16xf32>,
    %get3A_573 = vector.shape_cast %get3A_572 : vector<1x16xf32> to vector<16xf32>
    %get3A_574 = arith.constant 1 : i32
    %get3A_575 = arith.index_cast %get3A_574 : i32 to index
    %get3A_576 = arith.constant 80 : index
    %get3A_577 = tpu.vector_load %arg9[%get3A_575, %get3A_576] {strides = array<i32>} : memref<8x128xf32, #tpu.memory_space<vmem>>, vector<1x16xf32>,
    %get3A_578 = vector.shape_cast %get3A_577 : vector<1x16xf32> to vector<16xf32>
    %sub3A_579 = arith.subf %get3A_573, %get3A_578 : vector<16xf32>
    %swap3A_580 = arith.constant 1 : i32
    %swap3A_581 = arith.index_cast %swap3A_580 : i32 to index
    %swap3A_582 = arith.constant 80 : index
    %swap3A_583 = tpu.vector_load %arg10[%swap3A_581, %swap3A_582] {strides = array<i32>} : memref<8x128xf32, #tpu.memory_space<vmem>>, vector<1x16xf32>,
    %swap3A_584 = vector.shape_cast %swap3A_583 : vector<1x16xf32> to vector<16xf32>
    %swap3A_585 = vector.shape_cast %sub3A_579 : vector<16xf32> to vector<1x16xf32>
    tpu.vector_store %arg10[%swap3A_581, %swap3A_582], %swap3A_585 {strides = array<i32>} : memref<8x128xf32, #tpu.memory_space<vmem>>, vector<1x16xf32>,
    %get3A_586 = arith.constant 1 : i32
    %get3A_587 = arith.index_cast %get3A_586 : i32 to index
    %get3A_588 = arith.constant 96 : index
    %get3A_589 = tpu.vector_load %arg8[%get3A_587, %get3A_588] {strides = array<i32>} : memref<8x128xf32, #tpu.memory_space<vmem>>, vector<1x16xf32>,
    %get3A_590 = vector.shape_cast %get3A_589 : vector<1x16xf32> to vector<16xf32>
    %get3A_591 = arith.constant 1 : i32
    %get3A_592 = arith.index_cast %get3A_591 : i32 to index
    %get3A_593 = arith.constant 96 : index
    %get3A_594 = tpu.vector_load %arg9[%get3A_592, %get3A_593] {strides = array<i32>} : memref<8x128xf32, #tpu.memory_space<vmem>>, vector<1x16xf32>,
    %get3A_595 = vector.shape_cast %get3A_594 : vector<1x16xf32> to vector<16xf32>
    %sub3A_596 = arith.subf %get3A_590, %get3A_595 : vector<16xf32>
    %swap3A_597 = arith.constant 1 : i32
    %swap3A_598 = arith.index_cast %swap3A_597 : i32 to index
    %swap3A_599 = arith.constant 96 : index
    %swap3A_600 = tpu.vector_load %arg10[%swap3A_598, %swap3A_599] {strides = array<i32>} : memref<8x128xf32, #tpu.memory_space<vmem>>, vector<1x16xf32>,
    %swap3A_601 = vector.shape_cast %swap3A_600 : vector<1x16xf32> to vector<16xf32>
    %swap3A_602 = vector.shape_cast %sub3A_596 : vector<16xf32> to vector<1x16xf32>
    tpu.vector_store %arg10[%swap3A_598, %swap3A_599], %swap3A_602 {strides = array<i32>} : memref<8x128xf32, #tpu.memory_space<vmem>>, vector<1x16xf32>,
    %get3A_603 = arith.constant 1 : i32
    %get3A_604 = arith.index_cast %get3A_603 : i32 to index
    %get3A_605 = arith.constant 112 : index
    %get3A_606 = tpu.vector_load %arg8[%get3A_604, %get3A_605] {strides = array<i32>} : memref<8x128xf32, #tpu.memory_space<vmem>>, vector<1x16xf32>,
    %get3A_607 = vector.shape_cast %get3A_606 : vector<1x16xf32> to vector<16xf32>
    %get3A_608 = arith.constant 1 : i32
    %get3A_609 = arith.index_cast %get3A_608 : i32 to index
    %get3A_610 = arith.constant 112 : index
    %get3A_611 = tpu.vector_load %arg9[%get3A_609, %get3A_610] {strides = array<i32>} : memref<8x128xf32, #tpu.memory_space<vmem>>, vector<1x16xf32>,
    %get3A_612 = vector.shape_cast %get3A_611 : vector<1x16xf32> to vector<16xf32>
    %sub3A_613 = arith.subf %get3A_607, %get3A_612 : vector<16xf32>
    %swap3A_614 = arith.constant 1 : i32
    %swap3A_615 = arith.index_cast %swap3A_614 : i32 to index
    %swap3A_616 = arith.constant 112 : index
    %swap3A_617 = tpu.vector_load %arg10[%swap3A_615, %swap3A_616] {strides = array<i32>} : memref<8x128xf32, #tpu.memory_space<vmem>>, vector<1x16xf32>,
    %swap3A_618 = vector.shape_cast %swap3A_617 : vector<1x16xf32> to vector<16xf32>
    %swap3A_619 = vector.shape_cast %sub3A_613 : vector<16xf32> to vector<1x16xf32>
    tpu.vector_store %arg10[%swap3A_615, %swap3A_616], %swap3A_619 {strides = array<i32>} : memref<8x128xf32, #tpu.memory_space<vmem>>, vector<1x16xf32>,
    %get3A_620 = arith.constant 2 : i32
    %get3A_621 = arith.index_cast %get3A_620 : i32 to index
    %get3A_622 = arith.constant 0 : index
    %get3A_623 = tpu.vector_load %arg8[%get3A_621, %get3A_622] {strides = array<i32>} : memref<8x128xf32, #tpu.memory_space<vmem>>, vector<1x16xf32>,
    %get3A_624 = vector.shape_cast %get3A_623 : vector<1x16xf32> to vector<16xf32>
    %get3A_625 = arith.constant 2 : i32
    %get3A_626 = arith.index_cast %get3A_625 : i32 to index
    %get3A_627 = arith.constant 0 : index
    %get3A_628 = tpu.vector_load %arg9[%get3A_626, %get3A_627] {strides = array<i32>} : memref<8x128xf32, #tpu.memory_space<vmem>>, vector<1x16xf32>,
    %get3A_629 = vector.shape_cast %get3A_628 : vector<1x16xf32> to vector<16xf32>
    %sub3A_630 = arith.subf %get3A_624, %get3A_629 : vector<16xf32>
    %swap3A_631 = arith.constant 2 : i32
    %swap3A_632 = arith.index_cast %swap3A_631 : i32 to index
    %swap3A_633 = arith.constant 0 : index
    %swap3A_634 = tpu.vector_load %arg10[%swap3A_632, %swap3A_633] {strides = array<i32>} : memref<8x128xf32, #tpu.memory_space<vmem>>, vector<1x16xf32>,
    %swap3A_635 = vector.shape_cast %swap3A_634 : vector<1x16xf32> to vector<16xf32>
    %swap3A_636 = vector.shape_cast %sub3A_630 : vector<16xf32> to vector<1x16xf32>
    tpu.vector_store %arg10[%swap3A_632, %swap3A_633], %swap3A_636 {strides = array<i32>} : memref<8x128xf32, #tpu.memory_space<vmem>>, vector<1x16xf32>,
    %get3A_637 = arith.constant 2 : i32
    %get3A_638 = arith.index_cast %get3A_637 : i32 to index
    %get3A_639 = arith.constant 16 : index
    %get3A_640 = tpu.vector_load %arg8[%get3A_638, %get3A_639] {strides = array<i32>} : memref<8x128xf32, #tpu.memory_space<vmem>>, vector<1x16xf32>,
    %get3A_641 = vector.shape_cast %get3A_640 : vector<1x16xf32> to vector<16xf32>
    %get3A_642 = arith.constant 2 : i32
    %get3A_643 = arith.index_cast %get3A_642 : i32 to index
    %get3A_644 = arith.constant 16 : index
    %get3A_645 = tpu.vector_load %arg9[%get3A_643, %get3A_644] {strides = array<i32>} : memref<8x128xf32, #tpu.memory_space<vmem>>, vector<1x16xf32>,
    %get3A_646 = vector.shape_cast %get3A_645 : vector<1x16xf32> to vector<16xf32>
    %sub3A_647 = arith.subf %get3A_641, %get3A_646 : vector<16xf32>
    %swap3A_648 = arith.constant 2 : i32
    %swap3A_649 = arith.index_cast %swap3A_648 : i32 to index
    %swap3A_650 = arith.constant 16 : index
    %swap3A_651 = tpu.vector_load %arg10[%swap3A_649, %swap3A_650] {strides = array<i32>} : memref<8x128xf32, #tpu.memory_space<vmem>>, vector<1x16xf32>,
    %swap3A_652 = vector.shape_cast %swap3A_651 : vector<1x16xf32> to vector<16xf32>
    %swap3A_653 = vector.shape_cast %sub3A_647 : vector<16xf32> to vector<1x16xf32>
    tpu.vector_store %arg10[%swap3A_649, %swap3A_650], %swap3A_653 {strides = array<i32>} : memref<8x128xf32, #tpu.memory_space<vmem>>, vector<1x16xf32>,
    %get3A_654 = arith.constant 2 : i32
    %get3A_655 = arith.index_cast %get3A_654 : i32 to index
    %get3A_656 = arith.constant 32 : index
    %get3A_657 = tpu.vector_load %arg8[%get3A_655, %get3A_656] {strides = array<i32>} : memref<8x128xf32, #tpu.memory_space<vmem>>, vector<1x16xf32>,
    %get3A_658 = vector.shape_cast %get3A_657 : vector<1x16xf32> to vector<16xf32>
    %get3A_659 = arith.constant 2 : i32
    %get3A_660 = arith.index_cast %get3A_659 : i32 to index
    %get3A_661 = arith.constant 32 : index
    %get3A_662 = tpu.vector_load %arg9[%get3A_660, %get3A_661] {strides = array<i32>} : memref<8x128xf32, #tpu.memory_space<vmem>>, vector<1x16xf32>,
    %get3A_663 = vector.shape_cast %get3A_662 : vector<1x16xf32> to vector<16xf32>
    %sub3A_664 = arith.subf %get3A_658, %get3A_663 : vector<16xf32>
    %swap3A_665 = arith.constant 2 : i32
    %swap3A_666 = arith.index_cast %swap3A_665 : i32 to index
    %swap3A_667 = arith.constant 32 : index
    %swap3A_668 = tpu.vector_load %arg10[%swap3A_666, %swap3A_667] {strides = array<i32>} : memref<8x128xf32, #tpu.memory_space<vmem>>, vector<1x16xf32>,
    %swap3A_669 = vector.shape_cast %swap3A_668 : vector<1x16xf32> to vector<16xf32>
    %swap3A_670 = vector.shape_cast %sub3A_664 : vector<16xf32> to vector<1x16xf32>
    tpu.vector_store %arg10[%swap3A_666, %swap3A_667], %swap3A_670 {strides = array<i32>} : memref<8x128xf32, #tpu.memory_space<vmem>>, vector<1x16xf32>,
    %get3A_671 = arith.constant 2 : i32
    %get3A_672 = arith.index_cast %get3A_671 : i32 to index
    %get3A_673 = arith.constant 48 : index
    %get3A_674 = tpu.vector_load %arg8[%get3A_672, %get3A_673] {strides = array<i32>} : memref<8x128xf32, #tpu.memory_space<vmem>>, vector<1x16xf32>,
    %get3A_675 = vector.shape_cast %get3A_674 : vector<1x16xf32> to vector<16xf32>
    %get3A_676 = arith.constant 2 : i32
    %get3A_677 = arith.index_cast %get3A_676 : i32 to index
    %get3A_678 = arith.constant 48 : index
    %get3A_679 = tpu.vector_load %arg9[%get3A_677, %get3A_678] {strides = array<i32>} : memref<8x128xf32, #tpu.memory_space<vmem>>, vector<1x16xf32>,
    %get3A_680 = vector.shape_cast %get3A_679 : vector<1x16xf32> to vector<16xf32>
    %sub3A_681 = arith.subf %get3A_675, %get3A_680 : vector<16xf32>
    %swap3A_682 = arith.constant 2 : i32
    %swap3A_683 = arith.index_cast %swap3A_682 : i32 to index
    %swap3A_684 = arith.constant 48 : index
    %swap3A_685 = tpu.vector_load %arg10[%swap3A_683, %swap3A_684] {strides = array<i32>} : memref<8x128xf32, #tpu.memory_space<vmem>>, vector<1x16xf32>,
    %swap3A_686 = vector.shape_cast %swap3A_685 : vector<1x16xf32> to vector<16xf32>
    %swap3A_687 = vector.shape_cast %sub3A_681 : vector<16xf32> to vector<1x16xf32>
    tpu.vector_store %arg10[%swap3A_683, %swap3A_684], %swap3A_687 {strides = array<i32>} : memref<8x128xf32, #tpu.memory_space<vmem>>, vector<1x16xf32>,
    %get3A_688 = arith.constant 2 : i32
    %get3A_689 = arith.index_cast %get3A_688 : i32 to index
    %get3A_690 = arith.constant 64 : index
    %get3A_691 = tpu.vector_load %arg8[%get3A_689, %get3A_690] {strides = array<i32>} : memref<8x128xf32, #tpu.memory_space<vmem>>, vector<1x16xf32>,
    %get3A_692 = vector.shape_cast %get3A_691 : vector<1x16xf32> to vector<16xf32>
    %get3A_693 = arith.constant 2 : i32
    %get3A_694 = arith.index_cast %get3A_693 : i32 to index
    %get3A_695 = arith.constant 64 : index
    %get3A_696 = tpu.vector_load %arg9[%get3A_694, %get3A_695] {strides = array<i32>} : memref<8x128xf32, #tpu.memory_space<vmem>>, vector<1x16xf32>,
    %get3A_697 = vector.shape_cast %get3A_696 : vector<1x16xf32> to vector<16xf32>
    %sub3A_698 = arith.subf %get3A_692, %get3A_697 : vector<16xf32>
    %swap3A_699 = arith.constant 2 : i32
    %swap3A_700 = arith.index_cast %swap3A_699 : i32 to index
    %swap3A_701 = arith.constant 64 : index
    %swap3A_702 = tpu.vector_load %arg10[%swap3A_700, %swap3A_701] {strides = array<i32>} : memref<8x128xf32, #tpu.memory_space<vmem>>, vector<1x16xf32>,
    %swap3A_703 = vector.shape_cast %swap3A_702 : vector<1x16xf32> to vector<16xf32>
    %swap3A_704 = vector.shape_cast %sub3A_698 : vector<16xf32> to vector<1x16xf32>
    tpu.vector_store %arg10[%swap3A_700, %swap3A_701], %swap3A_704 {strides = array<i32>} : memref<8x128xf32, #tpu.memory_space<vmem>>, vector<1x16xf32>,
    %get3A_705 = arith.constant 2 : i32
    %get3A_706 = arith.index_cast %get3A_705 : i32 to index
    %get3A_707 = arith.constant 80 : index
    %get3A_708 = tpu.vector_load %arg8[%get3A_706, %get3A_707] {strides = array<i32>} : memref<8x128xf32, #tpu.memory_space<vmem>>, vector<1x16xf32>,
    %get3A_709 = vector.shape_cast %get3A_708 : vector<1x16xf32> to vector<16xf32>
    %get3A_710 = arith.constant 2 : i32
    %get3A_711 = arith.index_cast %get3A_710 : i32 to index
    %get3A_712 = arith.constant 80 : index
    %get3A_713 = tpu.vector_load %arg9[%get3A_711, %get3A_712] {strides = array<i32>} : memref<8x128xf32, #tpu.memory_space<vmem>>, vector<1x16xf32>,
    %get3A_714 = vector.shape_cast %get3A_713 : vector<1x16xf32> to vector<16xf32>
    %sub3A_715 = arith.subf %get3A_709, %get3A_714 : vector<16xf32>
    %swap3A_716 = arith.constant 2 : i32
    %swap3A_717 = arith.index_cast %swap3A_716 : i32 to index
    %swap3A_718 = arith.constant 80 : index
    %swap3A_719 = tpu.vector_load %arg10[%swap3A_717, %swap3A_718] {strides = array<i32>} : memref<8x128xf32, #tpu.memory_space<vmem>>, vector<1x16xf32>,
    %swap3A_720 = vector.shape_cast %swap3A_719 : vector<1x16xf32> to vector<16xf32>
    %swap3A_721 = vector.shape_cast %sub3A_715 : vector<16xf32> to vector<1x16xf32>
    tpu.vector_store %arg10[%swap3A_717, %swap3A_718], %swap3A_721 {strides = array<i32>} : memref<8x128xf32, #tpu.memory_space<vmem>>, vector<1x16xf32>,
    %get3A_722 = arith.constant 2 : i32
    %get3A_723 = arith.index_cast %get3A_722 : i32 to index
    %get3A_724 = arith.constant 96 : index
    %get3A_725 = tpu.vector_load %arg8[%get3A_723, %get3A_724] {strides = array<i32>} : memref<8x128xf32, #tpu.memory_space<vmem>>, vector<1x16xf32>,
    %get3A_726 = vector.shape_cast %get3A_725 : vector<1x16xf32> to vector<16xf32>
    %get3A_727 = arith.constant 2 : i32
    %get3A_728 = arith.index_cast %get3A_727 : i32 to index
    %get3A_729 = arith.constant 96 : index
    %get3A_730 = tpu.vector_load %arg9[%get3A_728, %get3A_729] {strides = array<i32>} : memref<8x128xf32, #tpu.memory_space<vmem>>, vector<1x16xf32>,
    %get3A_731 = vector.shape_cast %get3A_730 : vector<1x16xf32> to vector<16xf32>
    %sub3A_732 = arith.subf %get3A_726, %get3A_731 : vector<16xf32>
    %swap3A_733 = arith.constant 2 : i32
    %swap3A_734 = arith.index_cast %swap3A_733 : i32 to index
    %swap3A_735 = arith.constant 96 : index
    %swap3A_736 = tpu.vector_load %arg10[%swap3A_734, %swap3A_735] {strides = array<i32>} : memref<8x128xf32, #tpu.memory_space<vmem>>, vector<1x16xf32>,
    %swap3A_737 = vector.shape_cast %swap3A_736 : vector<1x16xf32> to vector<16xf32>
    %swap3A_738 = vector.shape_cast %sub3A_732 : vector<16xf32> to vector<1x16xf32>
    tpu.vector_store %arg10[%swap3A_734, %swap3A_735], %swap3A_738 {strides = array<i32>} : memref<8x128xf32, #tpu.memory_space<vmem>>, vector<1x16xf32>,
    %get3A_739 = arith.constant 2 : i32
    %get3A_740 = arith.index_cast %get3A_739 : i32 to index
    %get3A_741 = arith.constant 112 : index
    %get3A_742 = tpu.vector_load %arg8[%get3A_740, %get3A_741] {strides = array<i32>} : memref<8x128xf32, #tpu.memory_space<vmem>>, vector<1x16xf32>,
    %get3A_743 = vector.shape_cast %get3A_742 : vector<1x16xf32> to vector<16xf32>
    %get3A_744 = arith.constant 2 : i32
    %get3A_745 = arith.index_cast %get3A_744 : i32 to index
    %get3A_746 = arith.constant 112 : index
    %get3A_747 = tpu.vector_load %arg9[%get3A_745, %get3A_746] {strides = array<i32>} : memref<8x128xf32, #tpu.memory_space<vmem>>, vector<1x16xf32>,
    %get3A_748 = vector.shape_cast %get3A_747 : vector<1x16xf32> to vector<16xf32>
    %sub3A_749 = arith.subf %get3A_743, %get3A_748 : vector<16xf32>
    %swap3A_750 = arith.constant 2 : i32
    %swap3A_751 = arith.index_cast %swap3A_750 : i32 to index
    %swap3A_752 = arith.constant 112 : index
    %swap3A_753 = tpu.vector_load %arg10[%swap3A_751, %swap3A_752] {strides = array<i32>} : memref<8x128xf32, #tpu.memory_space<vmem>>, vector<1x16xf32>,
    %swap3A_754 = vector.shape_cast %swap3A_753 : vector<1x16xf32> to vector<16xf32>
    %swap3A_755 = vector.shape_cast %sub3A_749 : vector<16xf32> to vector<1x16xf32>
    tpu.vector_store %arg10[%swap3A_751, %swap3A_752], %swap3A_755 {strides = array<i32>} : memref<8x128xf32, #tpu.memory_space<vmem>>, vector<1x16xf32>,
    %get3A_756 = arith.constant 3 : i32
    %get3A_757 = arith.index_cast %get3A_756 : i32 to index
    %get3A_758 = arith.constant 0 : index
    %get3A_759 = tpu.vector_load %arg8[%get3A_757, %get3A_758] {strides = array<i32>} : memref<8x128xf32, #tpu.memory_space<vmem>>, vector<1x16xf32>,
    %get3A_760 = vector.shape_cast %get3A_759 : vector<1x16xf32> to vector<16xf32>
    %get3A_761 = arith.constant 3 : i32
    %get3A_762 = arith.index_cast %get3A_761 : i32 to index
    %get3A_763 = arith.constant 0 : index
    %get3A_764 = tpu.vector_load %arg9[%get3A_762, %get3A_763] {strides = array<i32>} : memref<8x128xf32, #tpu.memory_space<vmem>>, vector<1x16xf32>,
    %get3A_765 = vector.shape_cast %get3A_764 : vector<1x16xf32> to vector<16xf32>
    %sub3A_766 = arith.subf %get3A_760, %get3A_765 : vector<16xf32>
    %swap3A_767 = arith.constant 3 : i32
    %swap3A_768 = arith.index_cast %swap3A_767 : i32 to index
    %swap3A_769 = arith.constant 0 : index
    %swap3A_770 = tpu.vector_load %arg10[%swap3A_768, %swap3A_769] {strides = array<i32>} : memref<8x128xf32, #tpu.memory_space<vmem>>, vector<1x16xf32>,
    %swap3A_771 = vector.shape_cast %swap3A_770 : vector<1x16xf32> to vector<16xf32>
    %swap3A_772 = vector.shape_cast %sub3A_766 : vector<16xf32> to vector<1x16xf32>
    tpu.vector_store %arg10[%swap3A_768, %swap3A_769], %swap3A_772 {strides = array<i32>} : memref<8x128xf32, #tpu.memory_space<vmem>>, vector<1x16xf32>,
    %get3A_773 = arith.constant 3 : i32
    %get3A_774 = arith.index_cast %get3A_773 : i32 to index
    %get3A_775 = arith.constant 16 : index
    %get3A_776 = tpu.vector_load %arg8[%get3A_774, %get3A_775] {strides = array<i32>} : memref<8x128xf32, #tpu.memory_space<vmem>>, vector<1x16xf32>,
    %get3A_777 = vector.shape_cast %get3A_776 : vector<1x16xf32> to vector<16xf32>
    %get3A_778 = arith.constant 3 : i32
    %get3A_779 = arith.index_cast %get3A_778 : i32 to index
    %get3A_780 = arith.constant 16 : index
    %get3A_781 = tpu.vector_load %arg9[%get3A_779, %get3A_780] {strides = array<i32>} : memref<8x128xf32, #tpu.memory_space<vmem>>, vector<1x16xf32>,
    %get3A_782 = vector.shape_cast %get3A_781 : vector<1x16xf32> to vector<16xf32>
    %sub3A_783 = arith.subf %get3A_777, %get3A_782 : vector<16xf32>
    %swap3A_784 = arith.constant 3 : i32
    %swap3A_785 = arith.index_cast %swap3A_784 : i32 to index
    %swap3A_786 = arith.constant 16 : index
    %swap3A_787 = tpu.vector_load %arg10[%swap3A_785, %swap3A_786] {strides = array<i32>} : memref<8x128xf32, #tpu.memory_space<vmem>>, vector<1x16xf32>,
    %swap3A_788 = vector.shape_cast %swap3A_787 : vector<1x16xf32> to vector<16xf32>
    %swap3A_789 = vector.shape_cast %sub3A_783 : vector<16xf32> to vector<1x16xf32>
    tpu.vector_store %arg10[%swap3A_785, %swap3A_786], %swap3A_789 {strides = array<i32>} : memref<8x128xf32, #tpu.memory_space<vmem>>, vector<1x16xf32>,
    %get3A_790 = arith.constant 3 : i32
    %get3A_791 = arith.index_cast %get3A_790 : i32 to index
    %get3A_792 = arith.constant 32 : index
    %get3A_793 = tpu.vector_load %arg8[%get3A_791, %get3A_792] {strides = array<i32>} : memref<8x128xf32, #tpu.memory_space<vmem>>, vector<1x16xf32>,
    %get3A_794 = vector.shape_cast %get3A_793 : vector<1x16xf32> to vector<16xf32>
    %get3A_795 = arith.constant 3 : i32
    %get3A_796 = arith.index_cast %get3A_795 : i32 to index
    %get3A_797 = arith.constant 32 : index
    %get3A_798 = tpu.vector_load %arg9[%get3A_796, %get3A_797] {strides = array<i32>} : memref<8x128xf32, #tpu.memory_space<vmem>>, vector<1x16xf32>,
    %get3A_799 = vector.shape_cast %get3A_798 : vector<1x16xf32> to vector<16xf32>
    %sub3A_800 = arith.subf %get3A_794, %get3A_799 : vector<16xf32>
    %swap3A_801 = arith.constant 3 : i32
    %swap3A_802 = arith.index_cast %swap3A_801 : i32 to index
    %swap3A_803 = arith.constant 32 : index
    %swap3A_804 = tpu.vector_load %arg10[%swap3A_802, %swap3A_803] {strides = array<i32>} : memref<8x128xf32, #tpu.memory_space<vmem>>, vector<1x16xf32>,
    %swap3A_805 = vector.shape_cast %swap3A_804 : vector<1x16xf32> to vector<16xf32>
    %swap3A_806 = vector.shape_cast %sub3A_800 : vector<16xf32> to vector<1x16xf32>
    tpu.vector_store %arg10[%swap3A_802, %swap3A_803], %swap3A_806 {strides = array<i32>} : memref<8x128xf32, #tpu.memory_space<vmem>>, vector<1x16xf32>,
    %get3A_807 = arith.constant 3 : i32
    %get3A_808 = arith.index_cast %get3A_807 : i32 to index
    %get3A_809 = arith.constant 48 : index
    %get3A_810 = tpu.vector_load %arg8[%get3A_808, %get3A_809] {strides = array<i32>} : memref<8x128xf32, #tpu.memory_space<vmem>>, vector<1x16xf32>,
    %get3A_811 = vector.shape_cast %get3A_810 : vector<1x16xf32> to vector<16xf32>
    %get3A_812 = arith.constant 3 : i32
    %get3A_813 = arith.index_cast %get3A_812 : i32 to index
    %get3A_814 = arith.constant 48 : index
    %get3A_815 = tpu.vector_load %arg9[%get3A_813, %get3A_814] {strides = array<i32>} : memref<8x128xf32, #tpu.memory_space<vmem>>, vector<1x16xf32>,
    %get3A_816 = vector.shape_cast %get3A_815 : vector<1x16xf32> to vector<16xf32>
    %sub3A_817 = arith.subf %get3A_811, %get3A_816 : vector<16xf32>
    %swap3A_818 = arith.constant 3 : i32
    %swap3A_819 = arith.index_cast %swap3A_818 : i32 to index
    %swap3A_820 = arith.constant 48 : index
    %swap3A_821 = tpu.vector_load %arg10[%swap3A_819, %swap3A_820] {strides = array<i32>} : memref<8x128xf32, #tpu.memory_space<vmem>>, vector<1x16xf32>,
    %swap3A_822 = vector.shape_cast %swap3A_821 : vector<1x16xf32> to vector<16xf32>
    %swap3A_823 = vector.shape_cast %sub3A_817 : vector<16xf32> to vector<1x16xf32>
    tpu.vector_store %arg10[%swap3A_819, %swap3A_820], %swap3A_823 {strides = array<i32>} : memref<8x128xf32, #tpu.memory_space<vmem>>, vector<1x16xf32>,
    %get3A_824 = arith.constant 3 : i32
    %get3A_825 = arith.index_cast %get3A_824 : i32 to index
    %get3A_826 = arith.constant 64 : index
    %get3A_827 = tpu.vector_load %arg8[%get3A_825, %get3A_826] {strides = array<i32>} : memref<8x128xf32, #tpu.memory_space<vmem>>, vector<1x16xf32>,
    %get3A_828 = vector.shape_cast %get3A_827 : vector<1x16xf32> to vector<16xf32>
    %get3A_829 = arith.constant 3 : i32
    %get3A_830 = arith.index_cast %get3A_829 : i32 to index
    %get3A_831 = arith.constant 64 : index
    %get3A_832 = tpu.vector_load %arg9[%get3A_830, %get3A_831] {strides = array<i32>} : memref<8x128xf32, #tpu.memory_space<vmem>>, vector<1x16xf32>,
    %get3A_833 = vector.shape_cast %get3A_832 : vector<1x16xf32> to vector<16xf32>
    %sub3A_834 = arith.subf %get3A_828, %get3A_833 : vector<16xf32>
    %swap3A_835 = arith.constant 3 : i32
    %swap3A_836 = arith.index_cast %swap3A_835 : i32 to index
    %swap3A_837 = arith.constant 64 : index
    %swap3A_838 = tpu.vector_load %arg10[%swap3A_836, %swap3A_837] {strides = array<i32>} : memref<8x128xf32, #tpu.memory_space<vmem>>, vector<1x16xf32>,
    %swap3A_839 = vector.shape_cast %swap3A_838 : vector<1x16xf32> to vector<16xf32>
    %swap3A_840 = vector.shape_cast %sub3A_834 : vector<16xf32> to vector<1x16xf32>
    tpu.vector_store %arg10[%swap3A_836, %swap3A_837], %swap3A_840 {strides = array<i32>} : memref<8x128xf32, #tpu.memory_space<vmem>>, vector<1x16xf32>,
    %get3A_841 = arith.constant 3 : i32
    %get3A_842 = arith.index_cast %get3A_841 : i32 to index
    %get3A_843 = arith.constant 80 : index
    %get3A_844 = tpu.vector_load %arg8[%get3A_842, %get3A_843] {strides = array<i32>} : memref<8x128xf32, #tpu.memory_space<vmem>>, vector<1x16xf32>,
    %get3A_845 = vector.shape_cast %get3A_844 : vector<1x16xf32> to vector<16xf32>
    %get3A_846 = arith.constant 3 : i32
    %get3A_847 = arith.index_cast %get3A_846 : i32 to index
    %get3A_848 = arith.constant 80 : index
    %get3A_849 = tpu.vector_load %arg9[%get3A_847, %get3A_848] {strides = array<i32>} : memref<8x128xf32, #tpu.memory_space<vmem>>, vector<1x16xf32>,
    %get3A_850 = vector.shape_cast %get3A_849 : vector<1x16xf32> to vector<16xf32>
    %sub3A_851 = arith.subf %get3A_845, %get3A_850 : vector<16xf32>
    %swap3A_852 = arith.constant 3 : i32
    %swap3A_853 = arith.index_cast %swap3A_852 : i32 to index
    %swap3A_854 = arith.constant 80 : index
    %swap3A_855 = tpu.vector_load %arg10[%swap3A_853, %swap3A_854] {strides = array<i32>} : memref<8x128xf32, #tpu.memory_space<vmem>>, vector<1x16xf32>,
    %swap3A_856 = vector.shape_cast %swap3A_855 : vector<1x16xf32> to vector<16xf32>
    %swap3A_857 = vector.shape_cast %sub3A_851 : vector<16xf32> to vector<1x16xf32>
    tpu.vector_store %arg10[%swap3A_853, %swap3A_854], %swap3A_857 {strides = array<i32>} : memref<8x128xf32, #tpu.memory_space<vmem>>, vector<1x16xf32>,
    %get3A_858 = arith.constant 3 : i32
    %get3A_859 = arith.index_cast %get3A_858 : i32 to index
    %get3A_860 = arith.constant 96 : index
    %get3A_861 = tpu.vector_load %arg8[%get3A_859, %get3A_860] {strides = array<i32>} : memref<8x128xf32, #tpu.memory_space<vmem>>, vector<1x16xf32>,
    %get3A_862 = vector.shape_cast %get3A_861 : vector<1x16xf32> to vector<16xf32>
    %get3A_863 = arith.constant 3 : i32
    %get3A_864 = arith.index_cast %get3A_863 : i32 to index
    %get3A_865 = arith.constant 96 : index
    %get3A_866 = tpu.vector_load %arg9[%get3A_864, %get3A_865] {strides = array<i32>} : memref<8x128xf32, #tpu.memory_space<vmem>>, vector<1x16xf32>,
    %get3A_867 = vector.shape_cast %get3A_866 : vector<1x16xf32> to vector<16xf32>
    %sub3A_868 = arith.subf %get3A_862, %get3A_867 : vector<16xf32>
    %swap3A_869 = arith.constant 3 : i32
    %swap3A_870 = arith.index_cast %swap3A_869 : i32 to index
    %swap3A_871 = arith.constant 96 : index
    %swap3A_872 = tpu.vector_load %arg10[%swap3A_870, %swap3A_871] {strides = array<i32>} : memref<8x128xf32, #tpu.memory_space<vmem>>, vector<1x16xf32>,
    %swap3A_873 = vector.shape_cast %swap3A_872 : vector<1x16xf32> to vector<16xf32>
    %swap3A_874 = vector.shape_cast %sub3A_868 : vector<16xf32> to vector<1x16xf32>
    tpu.vector_store %arg10[%swap3A_870, %swap3A_871], %swap3A_874 {strides = array<i32>} : memref<8x128xf32, #tpu.memory_space<vmem>>, vector<1x16xf32>,
    %get3A_875 = arith.constant 3 : i32
    %get3A_876 = arith.index_cast %get3A_875 : i32 to index
    %get3A_877 = arith.constant 112 : index
    %get3A_878 = tpu.vector_load %arg8[%get3A_876, %get3A_877] {strides = array<i32>} : memref<8x128xf32, #tpu.memory_space<vmem>>, vector<1x16xf32>,
    %get3A_879 = vector.shape_cast %get3A_878 : vector<1x16xf32> to vector<16xf32>
    %get3A_880 = arith.constant 3 : i32
    %get3A_881 = arith.index_cast %get3A_880 : i32 to index
    %get3A_882 = arith.constant 112 : index
    %get3A_883 = tpu.vector_load %arg9[%get3A_881, %get3A_882] {strides = array<i32>} : memref<8x128xf32, #tpu.memory_space<vmem>>, vector<1x16xf32>,
    %get3A_884 = vector.shape_cast %get3A_883 : vector<1x16xf32> to vector<16xf32>
    %sub3A_885 = arith.subf %get3A_879, %get3A_884 : vector<16xf32>
    %swap3A_886 = arith.constant 3 : i32
    %swap3A_887 = arith.index_cast %swap3A_886 : i32 to index
    %swap3A_888 = arith.constant 112 : index
    %swap3A_889 = tpu.vector_load %arg10[%swap3A_887, %swap3A_888] {strides = array<i32>} : memref<8x128xf32, #tpu.memory_space<vmem>>, vector<1x16xf32>,
    %swap3A_890 = vector.shape_cast %swap3A_889 : vector<1x16xf32> to vector<16xf32>
    %swap3A_891 = vector.shape_cast %sub3A_885 : vector<16xf32> to vector<1x16xf32>
    tpu.vector_store %arg10[%swap3A_887, %swap3A_888], %swap3A_891 {strides = array<i32>} : memref<8x128xf32, #tpu.memory_space<vmem>>, vector<1x16xf32>,
    %get3A_892 = arith.constant 4 : i32
    %get3A_893 = arith.index_cast %get3A_892 : i32 to index
    %get3A_894 = arith.constant 0 : index
    %get3A_895 = tpu.vector_load %arg8[%get3A_893, %get3A_894] {strides = array<i32>} : memref<8x128xf32, #tpu.memory_space<vmem>>, vector<1x16xf32>,
    %get3A_896 = vector.shape_cast %get3A_895 : vector<1x16xf32> to vector<16xf32>
    %get3A_897 = arith.constant 4 : i32
    %get3A_898 = arith.index_cast %get3A_897 : i32 to index
    %get3A_899 = arith.constant 0 : index
    %get3A_900 = tpu.vector_load %arg9[%get3A_898, %get3A_899] {strides = array<i32>} : memref<8x128xf32, #tpu.memory_space<vmem>>, vector<1x16xf32>,
    %get3A_901 = vector.shape_cast %get3A_900 : vector<1x16xf32> to vector<16xf32>
    %sub3A_902 = arith.subf %get3A_896, %get3A_901 : vector<16xf32>
    %swap3A_903 = arith.constant 4 : i32
    %swap3A_904 = arith.index_cast %swap3A_903 : i32 to index
    %swap3A_905 = arith.constant 0 : index
    %swap3A_906 = tpu.vector_load %arg10[%swap3A_904, %swap3A_905] {strides = array<i32>} : memref<8x128xf32, #tpu.memory_space<vmem>>, vector<1x16xf32>,
    %swap3A_907 = vector.shape_cast %swap3A_906 : vector<1x16xf32> to vector<16xf32>
    %swap3A_908 = vector.shape_cast %sub3A_902 : vector<16xf32> to vector<1x16xf32>
    tpu.vector_store %arg10[%swap3A_904, %swap3A_905], %swap3A_908 {strides = array<i32>} : memref<8x128xf32, #tpu.memory_space<vmem>>, vector<1x16xf32>,
    %get3A_909 = arith.constant 4 : i32
    %get3A_910 = arith.index_cast %get3A_909 : i32 to index
    %get3A_911 = arith.constant 16 : index
    %get3A_912 = tpu.vector_load %arg8[%get3A_910, %get3A_911] {strides = array<i32>} : memref<8x128xf32, #tpu.memory_space<vmem>>, vector<1x16xf32>,
    %get3A_913 = vector.shape_cast %get3A_912 : vector<1x16xf32> to vector<16xf32>
    %get3A_914 = arith.constant 4 : i32
    %get3A_915 = arith.index_cast %get3A_914 : i32 to index
    %get3A_916 = arith.constant 16 : index
    %get3A_917 = tpu.vector_load %arg9[%get3A_915, %get3A_916] {strides = array<i32>} : memref<8x128xf32, #tpu.memory_space<vmem>>, vector<1x16xf32>,
    %get3A_918 = vector.shape_cast %get3A_917 : vector<1x16xf32> to vector<16xf32>
    %sub3A_919 = arith.subf %get3A_913, %get3A_918 : vector<16xf32>
    %swap3A_920 = arith.constant 4 : i32
    %swap3A_921 = arith.index_cast %swap3A_920 : i32 to index
    %swap3A_922 = arith.constant 16 : index
    %swap3A_923 = tpu.vector_load %arg10[%swap3A_921, %swap3A_922] {strides = array<i32>} : memref<8x128xf32, #tpu.memory_space<vmem>>, vector<1x16xf32>,
    %swap3A_924 = vector.shape_cast %swap3A_923 : vector<1x16xf32> to vector<16xf32>
    %swap3A_925 = vector.shape_cast %sub3A_919 : vector<16xf32> to vector<1x16xf32>
    tpu.vector_store %arg10[%swap3A_921, %swap3A_922], %swap3A_925 {strides = array<i32>} : memref<8x128xf32, #tpu.memory_space<vmem>>, vector<1x16xf32>,
    %get3A_926 = arith.constant 4 : i32
    %get3A_927 = arith.index_cast %get3A_926 : i32 to index
    %get3A_928 = arith.constant 32 : index
    %get3A_929 = tpu.vector_load %arg8[%get3A_927, %get3A_928] {strides = array<i32>} : memref<8x128xf32, #tpu.memory_space<vmem>>, vector<1x16xf32>,
    %get3A_930 = vector.shape_cast %get3A_929 : vector<1x16xf32> to vector<16xf32>
    %get3A_931 = arith.constant 4 : i32
    %get3A_932 = arith.index_cast %get3A_931 : i32 to index
    %get3A_933 = arith.constant 32 : index
    %get3A_934 = tpu.vector_load %arg9[%get3A_932, %get3A_933] {strides = array<i32>} : memref<8x128xf32, #tpu.memory_space<vmem>>, vector<1x16xf32>,
    %get3A_935 = vector.shape_cast %get3A_934 : vector<1x16xf32> to vector<16xf32>
    %sub3A_936 = arith.subf %get3A_930, %get3A_935 : vector<16xf32>
    %swap3A_937 = arith.constant 4 : i32
    %swap3A_938 = arith.index_cast %swap3A_937 : i32 to index
    %swap3A_939 = arith.constant 32 : index
    %swap3A_940 = tpu.vector_load %arg10[%swap3A_938, %swap3A_939] {strides = array<i32>} : memref<8x128xf32, #tpu.memory_space<vmem>>, vector<1x16xf32>,
    %swap3A_941 = vector.shape_cast %swap3A_940 : vector<1x16xf32> to vector<16xf32>
    %swap3A_942 = vector.shape_cast %sub3A_936 : vector<16xf32> to vector<1x16xf32>
    tpu.vector_store %arg10[%swap3A_938, %swap3A_939], %swap3A_942 {strides = array<i32>} : memref<8x128xf32, #tpu.memory_space<vmem>>, vector<1x16xf32>,
    %get3A_943 = arith.constant 4 : i32
    %get3A_944 = arith.index_cast %get3A_943 : i32 to index
    %get3A_945 = arith.constant 48 : index
    %get3A_946 = tpu.vector_load %arg8[%get3A_944, %get3A_945] {strides = array<i32>} : memref<8x128xf32, #tpu.memory_space<vmem>>, vector<1x16xf32>,
    %get3A_947 = vector.shape_cast %get3A_946 : vector<1x16xf32> to vector<16xf32>
    %get3A_948 = arith.constant 4 : i32
    %get3A_949 = arith.index_cast %get3A_948 : i32 to index
    %get3A_950 = arith.constant 48 : index
    %get3A_951 = tpu.vector_load %arg9[%get3A_949, %get3A_950] {strides = array<i32>} : memref<8x128xf32, #tpu.memory_space<vmem>>, vector<1x16xf32>,
    %get3A_952 = vector.shape_cast %get3A_951 : vector<1x16xf32> to vector<16xf32>
    %sub3A_953 = arith.subf %get3A_947, %get3A_952 : vector<16xf32>
    %swap3A_954 = arith.constant 4 : i32
    %swap3A_955 = arith.index_cast %swap3A_954 : i32 to index
    %swap3A_956 = arith.constant 48 : index
    %swap3A_957 = tpu.vector_load %arg10[%swap3A_955, %swap3A_956] {strides = array<i32>} : memref<8x128xf32, #tpu.memory_space<vmem>>, vector<1x16xf32>,
    %swap3A_958 = vector.shape_cast %swap3A_957 : vector<1x16xf32> to vector<16xf32>
    %swap3A_959 = vector.shape_cast %sub3A_953 : vector<16xf32> to vector<1x16xf32>
    tpu.vector_store %arg10[%swap3A_955, %swap3A_956], %swap3A_959 {strides = array<i32>} : memref<8x128xf32, #tpu.memory_space<vmem>>, vector<1x16xf32>,
    %get3A_960 = arith.constant 4 : i32
    %get3A_961 = arith.index_cast %get3A_960 : i32 to index
    %get3A_962 = arith.constant 64 : index
    %get3A_963 = tpu.vector_load %arg8[%get3A_961, %get3A_962] {strides = array<i32>} : memref<8x128xf32, #tpu.memory_space<vmem>>, vector<1x16xf32>,
    %get3A_964 = vector.shape_cast %get3A_963 : vector<1x16xf32> to vector<16xf32>
    %get3A_965 = arith.constant 4 : i32
    %get3A_966 = arith.index_cast %get3A_965 : i32 to index
    %get3A_967 = arith.constant 64 : index
    %get3A_968 = tpu.vector_load %arg9[%get3A_966, %get3A_967] {strides = array<i32>} : memref<8x128xf32, #tpu.memory_space<vmem>>, vector<1x16xf32>,
    %get3A_969 = vector.shape_cast %get3A_968 : vector<1x16xf32> to vector<16xf32>
    %sub3A_970 = arith.subf %get3A_964, %get3A_969 : vector<16xf32>
    %swap3A_971 = arith.constant 4 : i32
    %swap3A_972 = arith.index_cast %swap3A_971 : i32 to index
    %swap3A_973 = arith.constant 64 : index
    %swap3A_974 = tpu.vector_load %arg10[%swap3A_972, %swap3A_973] {strides = array<i32>} : memref<8x128xf32, #tpu.memory_space<vmem>>, vector<1x16xf32>,
    %swap3A_975 = vector.shape_cast %swap3A_974 : vector<1x16xf32> to vector<16xf32>
    %swap3A_976 = vector.shape_cast %sub3A_970 : vector<16xf32> to vector<1x16xf32>
    tpu.vector_store %arg10[%swap3A_972, %swap3A_973], %swap3A_976 {strides = array<i32>} : memref<8x128xf32, #tpu.memory_space<vmem>>, vector<1x16xf32>,
    %get3A_977 = arith.constant 4 : i32
    %get3A_978 = arith.index_cast %get3A_977 : i32 to index
    %get3A_979 = arith.constant 80 : index
    %get3A_980 = tpu.vector_load %arg8[%get3A_978, %get3A_979] {strides = array<i32>} : memref<8x128xf32, #tpu.memory_space<vmem>>, vector<1x16xf32>,
    %get3A_981 = vector.shape_cast %get3A_980 : vector<1x16xf32> to vector<16xf32>
    %get3A_982 = arith.constant 4 : i32
    %get3A_983 = arith.index_cast %get3A_982 : i32 to index
    %get3A_984 = arith.constant 80 : index
    %get3A_985 = tpu.vector_load %arg9[%get3A_983, %get3A_984] {strides = array<i32>} : memref<8x128xf32, #tpu.memory_space<vmem>>, vector<1x16xf32>,
    %get3A_986 = vector.shape_cast %get3A_985 : vector<1x16xf32> to vector<16xf32>
    %sub3A_987 = arith.subf %get3A_981, %get3A_986 : vector<16xf32>
    %swap3A_988 = arith.constant 4 : i32
    %swap3A_989 = arith.index_cast %swap3A_988 : i32 to index
    %swap3A_990 = arith.constant 80 : index
    %swap3A_991 = tpu.vector_load %arg10[%swap3A_989, %swap3A_990] {strides = array<i32>} : memref<8x128xf32, #tpu.memory_space<vmem>>, vector<1x16xf32>,
    %swap3A_992 = vector.shape_cast %swap3A_991 : vector<1x16xf32> to vector<16xf32>
    %swap3A_993 = vector.shape_cast %sub3A_987 : vector<16xf32> to vector<1x16xf32>
    tpu.vector_store %arg10[%swap3A_989, %swap3A_990], %swap3A_993 {strides = array<i32>} : memref<8x128xf32, #tpu.memory_space<vmem>>, vector<1x16xf32>,
    %get3A_994 = arith.constant 4 : i32
    %get3A_995 = arith.index_cast %get3A_994 : i32 to index
    %get3A_996 = arith.constant 96 : index
    %get3A_997 = tpu.vector_load %arg8[%get3A_995, %get3A_996] {strides = array<i32>} : memref<8x128xf32, #tpu.memory_space<vmem>>, vector<1x16xf32>,
    %get3A_998 = vector.shape_cast %get3A_997 : vector<1x16xf32> to vector<16xf32>
    %get3A_999 = arith.constant 4 : i32
    %get3A_1000 = arith.index_cast %get3A_999 : i32 to index
    %get3A_1001 = arith.constant 96 : index
    %get3A_1002 = tpu.vector_load %arg9[%get3A_1000, %get3A_1001] {strides = array<i32>} : memref<8x128xf32, #tpu.memory_space<vmem>>, vector<1x16xf32>,
    %get3A_1003 = vector.shape_cast %get3A_1002 : vector<1x16xf32> to vector<16xf32>
    %sub3A_1004 = arith.subf %get3A_998, %get3A_1003 : vector<16xf32>
    %swap3A_1005 = arith.constant 4 : i32
    %swap3A_1006 = arith.index_cast %swap3A_1005 : i32 to index
    %swap3A_1007 = arith.constant 96 : index
    %swap3A_1008 = tpu.vector_load %arg10[%swap3A_1006, %swap3A_1007] {strides = array<i32>} : memref<8x128xf32, #tpu.memory_space<vmem>>, vector<1x16xf32>,
    %swap3A_1009 = vector.shape_cast %swap3A_1008 : vector<1x16xf32> to vector<16xf32>
    %swap3A_1010 = vector.shape_cast %sub3A_1004 : vector<16xf32> to vector<1x16xf32>
    tpu.vector_store %arg10[%swap3A_1006, %swap3A_1007], %swap3A_1010 {strides = array<i32>} : memref<8x128xf32, #tpu.memory_space<vmem>>, vector<1x16xf32>,
    %get3A_1011 = arith.constant 4 : i32
    %get3A_1012 = arith.index_cast %get3A_1011 : i32 to index
    %get3A_1013 = arith.constant 112 : index
    %get3A_1014 = tpu.vector_load %arg8[%get3A_1012, %get3A_1013] {strides = array<i32>} : memref<8x128xf32, #tpu.memory_space<vmem>>, vector<1x16xf32>,
    %get3A_1015 = vector.shape_cast %get3A_1014 : vector<1x16xf32> to vector<16xf32>
    %get3A_1016 = arith.constant 4 : i32
    %get3A_1017 = arith.index_cast %get3A_1016 : i32 to index
    %get3A_1018 = arith.constant 112 : index
    %get3A_1019 = tpu.vector_load %arg9[%get3A_1017, %get3A_1018] {strides = array<i32>} : memref<8x128xf32, #tpu.memory_space<vmem>>, vector<1x16xf32>,
    %get3A_1020 = vector.shape_cast %get3A_1019 : vector<1x16xf32> to vector<16xf32>
    %sub3A_1021 = arith.subf %get3A_1015, %get3A_1020 : vector<16xf32>
    %swap3A_1022 = arith.constant 4 : i32
    %swap3A_1023 = arith.index_cast %swap3A_1022 : i32 to index
    %swap3A_1024 = arith.constant 112 : index
    %swap3A_1025 = tpu.vector_load %arg10[%swap3A_1023, %swap3A_1024] {strides = array<i32>} : memref<8x128xf32, #tpu.memory_space<vmem>>, vector<1x16xf32>,
    %swap3A_1026 = vector.shape_cast %swap3A_1025 : vector<1x16xf32> to vector<16xf32>
    %swap3A_1027 = vector.shape_cast %sub3A_1021 : vector<16xf32> to vector<1x16xf32>
    tpu.vector_store %arg10[%swap3A_1023, %swap3A_1024], %swap3A_1027 {strides = array<i32>} : memref<8x128xf32, #tpu.memory_space<vmem>>, vector<1x16xf32>,
    %get3A_1028 = arith.constant 5 : i32
    %get3A_1029 = arith.index_cast %get3A_1028 : i32 to index
    %get3A_1030 = arith.constant 0 : index
    %get3A_1031 = tpu.vector_load %arg8[%get3A_1029, %get3A_1030] {strides = array<i32>} : memref<8x128xf32, #tpu.memory_space<vmem>>, vector<1x16xf32>,
    %get3A_1032 = vector.shape_cast %get3A_1031 : vector<1x16xf32> to vector<16xf32>
    %get3A_1033 = arith.constant 5 : i32
    %get3A_1034 = arith.index_cast %get3A_1033 : i32 to index
    %get3A_1035 = arith.constant 0 : index
    %get3A_1036 = tpu.vector_load %arg9[%get3A_1034, %get3A_1035] {strides = array<i32>} : memref<8x128xf32, #tpu.memory_space<vmem>>, vector<1x16xf32>,
    %get3A_1037 = vector.shape_cast %get3A_1036 : vector<1x16xf32> to vector<16xf32>
    %sub3A_1038 = arith.subf %get3A_1032, %get3A_1037 : vector<16xf32>
    %swap3A_1039 = arith.constant 5 : i32
    %swap3A_1040 = arith.index_cast %swap3A_1039 : i32 to index
    %swap3A_1041 = arith.constant 0 : index
    %swap3A_1042 = tpu.vector_load %arg10[%swap3A_1040, %swap3A_1041] {strides = array<i32>} : memref<8x128xf32, #tpu.memory_space<vmem>>, vector<1x16xf32>,
    %swap3A_1043 = vector.shape_cast %swap3A_1042 : vector<1x16xf32> to vector<16xf32>
    %swap3A_1044 = vector.shape_cast %sub3A_1038 : vector<16xf32> to vector<1x16xf32>
    tpu.vector_store %arg10[%swap3A_1040, %swap3A_1041], %swap3A_1044 {strides = array<i32>} : memref<8x128xf32, #tpu.memory_space<vmem>>, vector<1x16xf32>,
    %get3A_1045 = arith.constant 5 : i32
    %get3A_1046 = arith.index_cast %get3A_1045 : i32 to index
    %get3A_1047 = arith.constant 16 : index
    %get3A_1048 = tpu.vector_load %arg8[%get3A_1046, %get3A_1047] {strides = array<i32>} : memref<8x128xf32, #tpu.memory_space<vmem>>, vector<1x16xf32>,
    %get3A_1049 = vector.shape_cast %get3A_1048 : vector<1x16xf32> to vector<16xf32>
    %get3A_1050 = arith.constant 5 : i32
    %get3A_1051 = arith.index_cast %get3A_1050 : i32 to index
    %get3A_1052 = arith.constant 16 : index
    %get3A_1053 = tpu.vector_load %arg9[%get3A_1051, %get3A_1052] {strides = array<i32>} : memref<8x128xf32, #tpu.memory_space<vmem>>, vector<1x16xf32>,
    %get3A_1054 = vector.shape_cast %get3A_1053 : vector<1x16xf32> to vector<16xf32>
    %sub3A_1055 = arith.subf %get3A_1049, %get3A_1054 : vector<16xf32>
    %swap3A_1056 = arith.constant 5 : i32
    %swap3A_1057 = arith.index_cast %swap3A_1056 : i32 to index
    %swap3A_1058 = arith.constant 16 : index
    %swap3A_1059 = tpu.vector_load %arg10[%swap3A_1057, %swap3A_1058] {strides = array<i32>} : memref<8x128xf32, #tpu.memory_space<vmem>>, vector<1x16xf32>,
    %swap3A_1060 = vector.shape_cast %swap3A_1059 : vector<1x16xf32> to vector<16xf32>
    %swap3A_1061 = vector.shape_cast %sub3A_1055 : vector<16xf32> to vector<1x16xf32>
    tpu.vector_store %arg10[%swap3A_1057, %swap3A_1058], %swap3A_1061 {strides = array<i32>} : memref<8x128xf32, #tpu.memory_space<vmem>>, vector<1x16xf32>,
    %get3A_1062 = arith.constant 5 : i32
    %get3A_1063 = arith.index_cast %get3A_1062 : i32 to index
    %get3A_1064 = arith.constant 32 : index
    %get3A_1065 = tpu.vector_load %arg8[%get3A_1063, %get3A_1064] {strides = array<i32>} : memref<8x128xf32, #tpu.memory_space<vmem>>, vector<1x16xf32>,
    %get3A_1066 = vector.shape_cast %get3A_1065 : vector<1x16xf32> to vector<16xf32>
    %get3A_1067 = arith.constant 5 : i32
    %get3A_1068 = arith.index_cast %get3A_1067 : i32 to index
    %get3A_1069 = arith.constant 32 : index
    %get3A_1070 = tpu.vector_load %arg9[%get3A_1068, %get3A_1069] {strides = array<i32>} : memref<8x128xf32, #tpu.memory_space<vmem>>, vector<1x16xf32>,
    %get3A_1071 = vector.shape_cast %get3A_1070 : vector<1x16xf32> to vector<16xf32>
    %sub3A_1072 = arith.subf %get3A_1066, %get3A_1071 : vector<16xf32>
    %swap3A_1073 = arith.constant 5 : i32
    %swap3A_1074 = arith.index_cast %swap3A_1073 : i32 to index
    %swap3A_1075 = arith.constant 32 : index
    %swap3A_1076 = tpu.vector_load %arg10[%swap3A_1074, %swap3A_1075] {strides = array<i32>} : memref<8x128xf32, #tpu.memory_space<vmem>>, vector<1x16xf32>,
    %swap3A_1077 = vector.shape_cast %swap3A_1076 : vector<1x16xf32> to vector<16xf32>
    %swap3A_1078 = vector.shape_cast %sub3A_1072 : vector<16xf32> to vector<1x16xf32>
    tpu.vector_store %arg10[%swap3A_1074, %swap3A_1075], %swap3A_1078 {strides = array<i32>} : memref<8x128xf32, #tpu.memory_space<vmem>>, vector<1x16xf32>,
    %get3A_1079 = arith.constant 5 : i32
    %get3A_1080 = arith.index_cast %get3A_1079 : i32 to index
    %get3A_1081 = arith.constant 48 : index
    %get3A_1082 = tpu.vector_load %arg8[%get3A_1080, %get3A_1081] {strides = array<i32>} : memref<8x128xf32, #tpu.memory_space<vmem>>, vector<1x16xf32>,
    %get3A_1083 = vector.shape_cast %get3A_1082 : vector<1x16xf32> to vector<16xf32>
    %get3A_1084 = arith.constant 5 : i32
    %get3A_1085 = arith.index_cast %get3A_1084 : i32 to index
    %get3A_1086 = arith.constant 48 : index
    %get3A_1087 = tpu.vector_load %arg9[%get3A_1085, %get3A_1086] {strides = array<i32>} : memref<8x128xf32, #tpu.memory_space<vmem>>, vector<1x16xf32>,
    %get3A_1088 = vector.shape_cast %get3A_1087 : vector<1x16xf32> to vector<16xf32>
    %sub3A_1089 = arith.subf %get3A_1083, %get3A_1088 : vector<16xf32>
    %swap3A_1090 = arith.constant 5 : i32
    %swap3A_1091 = arith.index_cast %swap3A_1090 : i32 to index
    %swap3A_1092 = arith.constant 48 : index
    %swap3A_1093 = tpu.vector_load %arg10[%swap3A_1091, %swap3A_1092] {strides = array<i32>} : memref<8x128xf32, #tpu.memory_space<vmem>>, vector<1x16xf32>,
    %swap3A_1094 = vector.shape_cast %swap3A_1093 : vector<1x16xf32> to vector<16xf32>
    %swap3A_1095 = vector.shape_cast %sub3A_1089 : vector<16xf32> to vector<1x16xf32>
    tpu.vector_store %arg10[%swap3A_1091, %swap3A_1092], %swap3A_1095 {strides = array<i32>} : memref<8x128xf32, #tpu.memory_space<vmem>>, vector<1x16xf32>,
    %get3A_1096 = arith.constant 5 : i32
    %get3A_1097 = arith.index_cast %get3A_1096 : i32 to index
    %get3A_1098 = arith.constant 64 : index
    %get3A_1099 = tpu.vector_load %arg8[%get3A_1097, %get3A_1098] {strides = array<i32>} : memref<8x128xf32, #tpu.memory_space<vmem>>, vector<1x16xf32>,
    %get3A_1100 = vector.shape_cast %get3A_1099 : vector<1x16xf32> to vector<16xf32>
    %get3A_1101 = arith.constant 5 : i32
    %get3A_1102 = arith.index_cast %get3A_1101 : i32 to index
    %get3A_1103 = arith.constant 64 : index
    %get3A_1104 = tpu.vector_load %arg9[%get3A_1102, %get3A_1103] {strides = array<i32>} : memref<8x128xf32, #tpu.memory_space<vmem>>, vector<1x16xf32>,
    %get3A_1105 = vector.shape_cast %get3A_1104 : vector<1x16xf32> to vector<16xf32>
    %sub3A_1106 = arith.subf %get3A_1100, %get3A_1105 : vector<16xf32>
    %swap3A_1107 = arith.constant 5 : i32
    %swap3A_1108 = arith.index_cast %swap3A_1107 : i32 to index
    %swap3A_1109 = arith.constant 64 : index
    %swap3A_1110 = tpu.vector_load %arg10[%swap3A_1108, %swap3A_1109] {strides = array<i32>} : memref<8x128xf32, #tpu.memory_space<vmem>>, vector<1x16xf32>,
    %swap3A_1111 = vector.shape_cast %swap3A_1110 : vector<1x16xf32> to vector<16xf32>
    %swap3A_1112 = vector.shape_cast %sub3A_1106 : vector<16xf32> to vector<1x16xf32>
    tpu.vector_store %arg10[%swap3A_1108, %swap3A_1109], %swap3A_1112 {strides = array<i32>} : memref<8x128xf32, #tpu.memory_space<vmem>>, vector<1x16xf32>,
    %get3A_1113 = arith.constant 5 : i32
    %get3A_1114 = arith.index_cast %get3A_1113 : i32 to index
    %get3A_1115 = arith.constant 80 : index
    %get3A_1116 = tpu.vector_load %arg8[%get3A_1114, %get3A_1115] {strides = array<i32>} : memref<8x128xf32, #tpu.memory_space<vmem>>, vector<1x16xf32>,
    %get3A_1117 = vector.shape_cast %get3A_1116 : vector<1x16xf32> to vector<16xf32>
    %get3A_1118 = arith.constant 5 : i32
    %get3A_1119 = arith.index_cast %get3A_1118 : i32 to index
    %get3A_1120 = arith.constant 80 : index
    %get3A_1121 = tpu.vector_load %arg9[%get3A_1119, %get3A_1120] {strides = array<i32>} : memref<8x128xf32, #tpu.memory_space<vmem>>, vector<1x16xf32>,
    %get3A_1122 = vector.shape_cast %get3A_1121 : vector<1x16xf32> to vector<16xf32>
    %sub3A_1123 = arith.subf %get3A_1117, %get3A_1122 : vector<16xf32>
    %swap3A_1124 = arith.constant 5 : i32
    %swap3A_1125 = arith.index_cast %swap3A_1124 : i32 to index
    %swap3A_1126 = arith.constant 80 : index
    %swap3A_1127 = tpu.vector_load %arg10[%swap3A_1125, %swap3A_1126] {strides = array<i32>} : memref<8x128xf32, #tpu.memory_space<vmem>>, vector<1x16xf32>,
    %swap3A_1128 = vector.shape_cast %swap3A_1127 : vector<1x16xf32> to vector<16xf32>
    %swap3A_1129 = vector.shape_cast %sub3A_1123 : vector<16xf32> to vector<1x16xf32>
    tpu.vector_store %arg10[%swap3A_1125, %swap3A_1126], %swap3A_1129 {strides = array<i32>} : memref<8x128xf32, #tpu.memory_space<vmem>>, vector<1x16xf32>,
    %get3A_1130 = arith.constant 5 : i32
    %get3A_1131 = arith.index_cast %get3A_1130 : i32 to index
    %get3A_1132 = arith.constant 96 : index
    %get3A_1133 = tpu.vector_load %arg8[%get3A_1131, %get3A_1132] {strides = array<i32>} : memref<8x128xf32, #tpu.memory_space<vmem>>, vector<1x16xf32>,
    %get3A_1134 = vector.shape_cast %get3A_1133 : vector<1x16xf32> to vector<16xf32>
    %get3A_1135 = arith.constant 5 : i32
    %get3A_1136 = arith.index_cast %get3A_1135 : i32 to index
    %get3A_1137 = arith.constant 96 : index
    %get3A_1138 = tpu.vector_load %arg9[%get3A_1136, %get3A_1137] {strides = array<i32>} : memref<8x128xf32, #tpu.memory_space<vmem>>, vector<1x16xf32>,
    %get3A_1139 = vector.shape_cast %get3A_1138 : vector<1x16xf32> to vector<16xf32>
    %sub3A_1140 = arith.subf %get3A_1134, %get3A_1139 : vector<16xf32>
    %swap3A_1141 = arith.constant 5 : i32
    %swap3A_1142 = arith.index_cast %swap3A_1141 : i32 to index
    %swap3A_1143 = arith.constant 96 : index
    %swap3A_1144 = tpu.vector_load %arg10[%swap3A_1142, %swap3A_1143] {strides = array<i32>} : memref<8x128xf32, #tpu.memory_space<vmem>>, vector<1x16xf32>,
    %swap3A_1145 = vector.shape_cast %swap3A_1144 : vector<1x16xf32> to vector<16xf32>
    %swap3A_1146 = vector.shape_cast %sub3A_1140 : vector<16xf32> to vector<1x16xf32>
    tpu.vector_store %arg10[%swap3A_1142, %swap3A_1143], %swap3A_1146 {strides = array<i32>} : memref<8x128xf32, #tpu.memory_space<vmem>>, vector<1x16xf32>,
    %get3A_1147 = arith.constant 5 : i32
    %get3A_1148 = arith.index_cast %get3A_1147 : i32 to index
    %get3A_1149 = arith.constant 112 : index
    %get3A_1150 = tpu.vector_load %arg8[%get3A_1148, %get3A_1149] {strides = array<i32>} : memref<8x128xf32, #tpu.memory_space<vmem>>, vector<1x16xf32>,
    %get3A_1151 = vector.shape_cast %get3A_1150 : vector<1x16xf32> to vector<16xf32>
    %get3A_1152 = arith.constant 5 : i32
    %get3A_1153 = arith.index_cast %get3A_1152 : i32 to index
    %get3A_1154 = arith.constant 112 : index
    %get3A_1155 = tpu.vector_load %arg9[%get3A_1153, %get3A_1154] {strides = array<i32>} : memref<8x128xf32, #tpu.memory_space<vmem>>, vector<1x16xf32>,
    %get3A_1156 = vector.shape_cast %get3A_1155 : vector<1x16xf32> to vector<16xf32>
    %sub3A_1157 = arith.subf %get3A_1151, %get3A_1156 : vector<16xf32>
    %swap3A_1158 = arith.constant 5 : i32
    %swap3A_1159 = arith.index_cast %swap3A_1158 : i32 to index
    %swap3A_1160 = arith.constant 112 : index
    %swap3A_1161 = tpu.vector_load %arg10[%swap3A_1159, %swap3A_1160] {strides = array<i32>} : memref<8x128xf32, #tpu.memory_space<vmem>>, vector<1x16xf32>,
    %swap3A_1162 = vector.shape_cast %swap3A_1161 : vector<1x16xf32> to vector<16xf32>
    %swap3A_1163 = vector.shape_cast %sub3A_1157 : vector<16xf32> to vector<1x16xf32>
    tpu.vector_store %arg10[%swap3A_1159, %swap3A_1160], %swap3A_1163 {strides = array<i32>} : memref<8x128xf32, #tpu.memory_space<vmem>>, vector<1x16xf32>,
    %get3A_1164 = arith.constant 6 : i32
    %get3A_1165 = arith.index_cast %get3A_1164 : i32 to index
    %get3A_1166 = arith.constant 0 : index
    %get3A_1167 = tpu.vector_load %arg8[%get3A_1165, %get3A_1166] {strides = array<i32>} : memref<8x128xf32, #tpu.memory_space<vmem>>, vector<1x16xf32>,
    %get3A_1168 = vector.shape_cast %get3A_1167 : vector<1x16xf32> to vector<16xf32>
    %get3A_1169 = arith.constant 6 : i32
    %get3A_1170 = arith.index_cast %get3A_1169 : i32 to index
    %get3A_1171 = arith.constant 0 : index
    %get3A_1172 = tpu.vector_load %arg9[%get3A_1170, %get3A_1171] {strides = array<i32>} : memref<8x128xf32, #tpu.memory_space<vmem>>, vector<1x16xf32>,
    %get3A_1173 = vector.shape_cast %get3A_1172 : vector<1x16xf32> to vector<16xf32>
    %sub3A_1174 = arith.subf %get3A_1168, %get3A_1173 : vector<16xf32>
    %swap3A_1175 = arith.constant 6 : i32
    %swap3A_1176 = arith.index_cast %swap3A_1175 : i32 to index
    %swap3A_1177 = arith.constant 0 : index
    %swap3A_1178 = tpu.vector_load %arg10[%swap3A_1176, %swap3A_1177] {strides = array<i32>} : memref<8x128xf32, #tpu.memory_space<vmem>>, vector<1x16xf32>,
    %swap3A_1179 = vector.shape_cast %swap3A_1178 : vector<1x16xf32> to vector<16xf32>
    %swap3A_1180 = vector.shape_cast %sub3A_1174 : vector<16xf32> to vector<1x16xf32>
    tpu.vector_store %arg10[%swap3A_1176, %swap3A_1177], %swap3A_1180 {strides = array<i32>} : memref<8x128xf32, #tpu.memory_space<vmem>>, vector<1x16xf32>,
    %get3A_1181 = arith.constant 6 : i32
    %get3A_1182 = arith.index_cast %get3A_1181 : i32 to index
    %get3A_1183 = arith.constant 16 : index
    %get3A_1184 = tpu.vector_load %arg8[%get3A_1182, %get3A_1183] {strides = array<i32>} : memref<8x128xf32, #tpu.memory_space<vmem>>, vector<1x16xf32>,
    %get3A_1185 = vector.shape_cast %get3A_1184 : vector<1x16xf32> to vector<16xf32>
    %get3A_1186 = arith.constant 6 : i32
    %get3A_1187 = arith.index_cast %get3A_1186 : i32 to index
    %get3A_1188 = arith.constant 16 : index
    %get3A_1189 = tpu.vector_load %arg9[%get3A_1187, %get3A_1188] {strides = array<i32>} : memref<8x128xf32, #tpu.memory_space<vmem>>, vector<1x16xf32>,
    %get3A_1190 = vector.shape_cast %get3A_1189 : vector<1x16xf32> to vector<16xf32>
    %sub3A_1191 = arith.subf %get3A_1185, %get3A_1190 : vector<16xf32>
    %swap3A_1192 = arith.constant 6 : i32
    %swap3A_1193 = arith.index_cast %swap3A_1192 : i32 to index
    %swap3A_1194 = arith.constant 16 : index
    %swap3A_1195 = tpu.vector_load %arg10[%swap3A_1193, %swap3A_1194] {strides = array<i32>} : memref<8x128xf32, #tpu.memory_space<vmem>>, vector<1x16xf32>,
    %swap3A_1196 = vector.shape_cast %swap3A_1195 : vector<1x16xf32> to vector<16xf32>
    %swap3A_1197 = vector.shape_cast %sub3A_1191 : vector<16xf32> to vector<1x16xf32>
    tpu.vector_store %arg10[%swap3A_1193, %swap3A_1194], %swap3A_1197 {strides = array<i32>} : memref<8x128xf32, #tpu.memory_space<vmem>>, vector<1x16xf32>,
    %get3A_1198 = arith.constant 6 : i32
    %get3A_1199 = arith.index_cast %get3A_1198 : i32 to index
    %get3A_1200 = arith.constant 32 : index
    %get3A_1201 = tpu.vector_load %arg8[%get3A_1199, %get3A_1200] {strides = array<i32>} : memref<8x128xf32, #tpu.memory_space<vmem>>, vector<1x16xf32>,
    %get3A_1202 = vector.shape_cast %get3A_1201 : vector<1x16xf32> to vector<16xf32>
    %get3A_1203 = arith.constant 6 : i32
    %get3A_1204 = arith.index_cast %get3A_1203 : i32 to index
    %get3A_1205 = arith.constant 32 : index
    %get3A_1206 = tpu.vector_load %arg9[%get3A_1204, %get3A_1205] {strides = array<i32>} : memref<8x128xf32, #tpu.memory_space<vmem>>, vector<1x16xf32>,
    %get3A_1207 = vector.shape_cast %get3A_1206 : vector<1x16xf32> to vector<16xf32>
    %sub3A_1208 = arith.subf %get3A_1202, %get3A_1207 : vector<16xf32>
    %swap3A_1209 = arith.constant 6 : i32
    %swap3A_1210 = arith.index_cast %swap3A_1209 : i32 to index
    %swap3A_1211 = arith.constant 32 : index
    %swap3A_1212 = tpu.vector_load %arg10[%swap3A_1210, %swap3A_1211] {strides = array<i32>} : memref<8x128xf32, #tpu.memory_space<vmem>>, vector<1x16xf32>,
    %swap3A_1213 = vector.shape_cast %swap3A_1212 : vector<1x16xf32> to vector<16xf32>
    %swap3A_1214 = vector.shape_cast %sub3A_1208 : vector<16xf32> to vector<1x16xf32>
    tpu.vector_store %arg10[%swap3A_1210, %swap3A_1211], %swap3A_1214 {strides = array<i32>} : memref<8x128xf32, #tpu.memory_space<vmem>>, vector<1x16xf32>,
    %get3A_1215 = arith.constant 6 : i32
    %get3A_1216 = arith.index_cast %get3A_1215 : i32 to index
    %get3A_1217 = arith.constant 48 : index
    %get3A_1218 = tpu.vector_load %arg8[%get3A_1216, %get3A_1217] {strides = array<i32>} : memref<8x128xf32, #tpu.memory_space<vmem>>, vector<1x16xf32>,
    %get3A_1219 = vector.shape_cast %get3A_1218 : vector<1x16xf32> to vector<16xf32>
    %get3A_1220 = arith.constant 6 : i32
    %get3A_1221 = arith.index_cast %get3A_1220 : i32 to index
    %get3A_1222 = arith.constant 48 : index
    %get3A_1223 = tpu.vector_load %arg9[%get3A_1221, %get3A_1222] {strides = array<i32>} : memref<8x128xf32, #tpu.memory_space<vmem>>, vector<1x16xf32>,
    %get3A_1224 = vector.shape_cast %get3A_1223 : vector<1x16xf32> to vector<16xf32>
    %sub3A_1225 = arith.subf %get3A_1219, %get3A_1224 : vector<16xf32>
    %swap3A_1226 = arith.constant 6 : i32
    %swap3A_1227 = arith.index_cast %swap3A_1226 : i32 to index
    %swap3A_1228 = arith.constant 48 : index
    %swap3A_1229 = tpu.vector_load %arg10[%swap3A_1227, %swap3A_1228] {strides = array<i32>} : memref<8x128xf32, #tpu.memory_space<vmem>>, vector<1x16xf32>,
    %swap3A_1230 = vector.shape_cast %swap3A_1229 : vector<1x16xf32> to vector<16xf32>
    %swap3A_1231 = vector.shape_cast %sub3A_1225 : vector<16xf32> to vector<1x16xf32>
    tpu.vector_store %arg10[%swap3A_1227, %swap3A_1228], %swap3A_1231 {strides = array<i32>} : memref<8x128xf32, #tpu.memory_space<vmem>>, vector<1x16xf32>,
    %get3A_1232 = arith.constant 6 : i32
    %get3A_1233 = arith.index_cast %get3A_1232 : i32 to index
    %get3A_1234 = arith.constant 64 : index
    %get3A_1235 = tpu.vector_load %arg8[%get3A_1233, %get3A_1234] {strides = array<i32>} : memref<8x128xf32, #tpu.memory_space<vmem>>, vector<1x16xf32>,
    %get3A_1236 = vector.shape_cast %get3A_1235 : vector<1x16xf32> to vector<16xf32>
    %get3A_1237 = arith.constant 6 : i32
    %get3A_1238 = arith.index_cast %get3A_1237 : i32 to index
    %get3A_1239 = arith.constant 64 : index
    %get3A_1240 = tpu.vector_load %arg9[%get3A_1238, %get3A_1239] {strides = array<i32>} : memref<8x128xf32, #tpu.memory_space<vmem>>, vector<1x16xf32>,
    %get3A_1241 = vector.shape_cast %get3A_1240 : vector<1x16xf32> to vector<16xf32>
    %sub3A_1242 = arith.subf %get3A_1236, %get3A_1241 : vector<16xf32>
    %swap3A_1243 = arith.constant 6 : i32
    %swap3A_1244 = arith.index_cast %swap3A_1243 : i32 to index
    %swap3A_1245 = arith.constant 64 : index
    %swap3A_1246 = tpu.vector_load %arg10[%swap3A_1244, %swap3A_1245] {strides = array<i32>} : memref<8x128xf32, #tpu.memory_space<vmem>>, vector<1x16xf32>,
    %swap3A_1247 = vector.shape_cast %swap3A_1246 : vector<1x16xf32> to vector<16xf32>
    %swap3A_1248 = vector.shape_cast %sub3A_1242 : vector<16xf32> to vector<1x16xf32>
    tpu.vector_store %arg10[%swap3A_1244, %swap3A_1245], %swap3A_1248 {strides = array<i32>} : memref<8x128xf32, #tpu.memory_space<vmem>>, vector<1x16xf32>,
    %get3A_1249 = arith.constant 6 : i32
    %get3A_1250 = arith.index_cast %get3A_1249 : i32 to index
    %get3A_1251 = arith.constant 80 : index
    %get3A_1252 = tpu.vector_load %arg8[%get3A_1250, %get3A_1251] {strides = array<i32>} : memref<8x128xf32, #tpu.memory_space<vmem>>, vector<1x16xf32>,
    %get3A_1253 = vector.shape_cast %get3A_1252 : vector<1x16xf32> to vector<16xf32>
    %get3A_1254 = arith.constant 6 : i32
    %get3A_1255 = arith.index_cast %get3A_1254 : i32 to index
    %get3A_1256 = arith.constant 80 : index
    %get3A_1257 = tpu.vector_load %arg9[%get3A_1255, %get3A_1256] {strides = array<i32>} : memref<8x128xf32, #tpu.memory_space<vmem>>, vector<1x16xf32>,
    %get3A_1258 = vector.shape_cast %get3A_1257 : vector<1x16xf32> to vector<16xf32>
    %sub3A_1259 = arith.subf %get3A_1253, %get3A_1258 : vector<16xf32>
    %swap3A_1260 = arith.constant 6 : i32
    %swap3A_1261 = arith.index_cast %swap3A_1260 : i32 to index
    %swap3A_1262 = arith.constant 80 : index
    %swap3A_1263 = tpu.vector_load %arg10[%swap3A_1261, %swap3A_1262] {strides = array<i32>} : memref<8x128xf32, #tpu.memory_space<vmem>>, vector<1x16xf32>,
    %swap3A_1264 = vector.shape_cast %swap3A_1263 : vector<1x16xf32> to vector<16xf32>
    %swap3A_1265 = vector.shape_cast %sub3A_1259 : vector<16xf32> to vector<1x16xf32>
    tpu.vector_store %arg10[%swap3A_1261, %swap3A_1262], %swap3A_1265 {strides = array<i32>} : memref<8x128xf32, #tpu.memory_space<vmem>>, vector<1x16xf32>,
    %get3A_1266 = arith.constant 6 : i32
    %get3A_1267 = arith.index_cast %get3A_1266 : i32 to index
    %get3A_1268 = arith.constant 96 : index
    %get3A_1269 = tpu.vector_load %arg8[%get3A_1267, %get3A_1268] {strides = array<i32>} : memref<8x128xf32, #tpu.memory_space<vmem>>, vector<1x16xf32>,
    %get3A_1270 = vector.shape_cast %get3A_1269 : vector<1x16xf32> to vector<16xf32>
    %get3A_1271 = arith.constant 6 : i32
    %get3A_1272 = arith.index_cast %get3A_1271 : i32 to index
    %get3A_1273 = arith.constant 96 : index
    %get3A_1274 = tpu.vector_load %arg9[%get3A_1272, %get3A_1273] {strides = array<i32>} : memref<8x128xf32, #tpu.memory_space<vmem>>, vector<1x16xf32>,
    %get3A_1275 = vector.shape_cast %get3A_1274 : vector<1x16xf32> to vector<16xf32>
    %sub3A_1276 = arith.subf %get3A_1270, %get3A_1275 : vector<16xf32>
    %swap3A_1277 = arith.constant 6 : i32
    %swap3A_1278 = arith.index_cast %swap3A_1277 : i32 to index
    %swap3A_1279 = arith.constant 96 : index
    %swap3A_1280 = tpu.vector_load %arg10[%swap3A_1278, %swap3A_1279] {strides = array<i32>} : memref<8x128xf32, #tpu.memory_space<vmem>>, vector<1x16xf32>,
    %swap3A_1281 = vector.shape_cast %swap3A_1280 : vector<1x16xf32> to vector<16xf32>
    %swap3A_1282 = vector.shape_cast %sub3A_1276 : vector<16xf32> to vector<1x16xf32>
    tpu.vector_store %arg10[%swap3A_1278, %swap3A_1279], %swap3A_1282 {strides = array<i32>} : memref<8x128xf32, #tpu.memory_space<vmem>>, vector<1x16xf32>,
    %get3A_1283 = arith.constant 6 : i32
    %get3A_1284 = arith.index_cast %get3A_1283 : i32 to index
    %get3A_1285 = arith.constant 112 : index
    %get3A_1286 = tpu.vector_load %arg8[%get3A_1284, %get3A_1285] {strides = array<i32>} : memref<8x128xf32, #tpu.memory_space<vmem>>, vector<1x16xf32>,
    %get3A_1287 = vector.shape_cast %get3A_1286 : vector<1x16xf32> to vector<16xf32>
    %get3A_1288 = arith.constant 6 : i32
    %get3A_1289 = arith.index_cast %get3A_1288 : i32 to index
    %get3A_1290 = arith.constant 112 : index
    %get3A_1291 = tpu.vector_load %arg9[%get3A_1289, %get3A_1290] {strides = array<i32>} : memref<8x128xf32, #tpu.memory_space<vmem>>, vector<1x16xf32>,
    %get3A_1292 = vector.shape_cast %get3A_1291 : vector<1x16xf32> to vector<16xf32>
    %sub3A_1293 = arith.subf %get3A_1287, %get3A_1292 : vector<16xf32>
    %swap3A_1294 = arith.constant 6 : i32
    %swap3A_1295 = arith.index_cast %swap3A_1294 : i32 to index
    %swap3A_1296 = arith.constant 112 : index
    %swap3A_1297 = tpu.vector_load %arg10[%swap3A_1295, %swap3A_1296] {strides = array<i32>} : memref<8x128xf32, #tpu.memory_space<vmem>>, vector<1x16xf32>,
    %swap3A_1298 = vector.shape_cast %swap3A_1297 : vector<1x16xf32> to vector<16xf32>
    %swap3A_1299 = vector.shape_cast %sub3A_1293 : vector<16xf32> to vector<1x16xf32>
    tpu.vector_store %arg10[%swap3A_1295, %swap3A_1296], %swap3A_1299 {strides = array<i32>} : memref<8x128xf32, #tpu.memory_space<vmem>>, vector<1x16xf32>,
    %get3A_1300 = arith.constant 7 : i32
    %get3A_1301 = arith.index_cast %get3A_1300 : i32 to index
    %get3A_1302 = arith.constant 0 : index
    %get3A_1303 = tpu.vector_load %arg8[%get3A_1301, %get3A_1302] {strides = array<i32>} : memref<8x128xf32, #tpu.memory_space<vmem>>, vector<1x16xf32>,
    %get3A_1304 = vector.shape_cast %get3A_1303 : vector<1x16xf32> to vector<16xf32>
    %get3A_1305 = arith.constant 7 : i32
    %get3A_1306 = arith.index_cast %get3A_1305 : i32 to index
    %get3A_1307 = arith.constant 0 : index
    %get3A_1308 = tpu.vector_load %arg9[%get3A_1306, %get3A_1307] {strides = array<i32>} : memref<8x128xf32, #tpu.memory_space<vmem>>, vector<1x16xf32>,
    %get3A_1309 = vector.shape_cast %get3A_1308 : vector<1x16xf32> to vector<16xf32>
    %sub3A_1310 = arith.subf %get3A_1304, %get3A_1309 : vector<16xf32>
    %swap3A_1311 = arith.constant 7 : i32
    %swap3A_1312 = arith.index_cast %swap3A_1311 : i32 to index
    %swap3A_1313 = arith.constant 0 : index
    %swap3A_1314 = tpu.vector_load %arg10[%swap3A_1312, %swap3A_1313] {strides = array<i32>} : memref<8x128xf32, #tpu.memory_space<vmem>>, vector<1x16xf32>,
    %swap3A_1315 = vector.shape_cast %swap3A_1314 : vector<1x16xf32> to vector<16xf32>
    %swap3A_1316 = vector.shape_cast %sub3A_1310 : vector<16xf32> to vector<1x16xf32>
    tpu.vector_store %arg10[%swap3A_1312, %swap3A_1313], %swap3A_1316 {strides = array<i32>} : memref<8x128xf32, #tpu.memory_space<vmem>>, vector<1x16xf32>,
    %get3A_1317 = arith.constant 7 : i32
    %get3A_1318 = arith.index_cast %get3A_1317 : i32 to index
    %get3A_1319 = arith.constant 16 : index
    %get3A_1320 = tpu.vector_load %arg8[%get3A_1318, %get3A_1319] {strides = array<i32>} : memref<8x128xf32, #tpu.memory_space<vmem>>, vector<1x16xf32>,
    %get3A_1321 = vector.shape_cast %get3A_1320 : vector<1x16xf32> to vector<16xf32>
    %get3A_1322 = arith.constant 7 : i32
    %get3A_1323 = arith.index_cast %get3A_1322 : i32 to index
    %get3A_1324 = arith.constant 16 : index
    %get3A_1325 = tpu.vector_load %arg9[%get3A_1323, %get3A_1324] {strides = array<i32>} : memref<8x128xf32, #tpu.memory_space<vmem>>, vector<1x16xf32>,
    %get3A_1326 = vector.shape_cast %get3A_1325 : vector<1x16xf32> to vector<16xf32>
    %sub3A_1327 = arith.subf %get3A_1321, %get3A_1326 : vector<16xf32>
    %swap3A_1328 = arith.constant 7 : i32
    %swap3A_1329 = arith.index_cast %swap3A_1328 : i32 to index
    %swap3A_1330 = arith.constant 16 : index
    %swap3A_1331 = tpu.vector_load %arg10[%swap3A_1329, %swap3A_1330] {strides = array<i32>} : memref<8x128xf32, #tpu.memory_space<vmem>>, vector<1x16xf32>,
    %swap3A_1332 = vector.shape_cast %swap3A_1331 : vector<1x16xf32> to vector<16xf32>
    %swap3A_1333 = vector.shape_cast %sub3A_1327 : vector<16xf32> to vector<1x16xf32>
    tpu.vector_store %arg10[%swap3A_1329, %swap3A_1330], %swap3A_1333 {strides = array<i32>} : memref<8x128xf32, #tpu.memory_space<vmem>>, vector<1x16xf32>,
    %get3A_1334 = arith.constant 7 : i32
    %get3A_1335 = arith.index_cast %get3A_1334 : i32 to index
    %get3A_1336 = arith.constant 32 : index
    %get3A_1337 = tpu.vector_load %arg8[%get3A_1335, %get3A_1336] {strides = array<i32>} : memref<8x128xf32, #tpu.memory_space<vmem>>, vector<1x16xf32>,
    %get3A_1338 = vector.shape_cast %get3A_1337 : vector<1x16xf32> to vector<16xf32>
    %get3A_1339 = arith.constant 7 : i32
    %get3A_1340 = arith.index_cast %get3A_1339 : i32 to index
    %get3A_1341 = arith.constant 32 : index
    %get3A_1342 = tpu.vector_load %arg9[%get3A_1340, %get3A_1341] {strides = array<i32>} : memref<8x128xf32, #tpu.memory_space<vmem>>, vector<1x16xf32>,
    %get3A_1343 = vector.shape_cast %get3A_1342 : vector<1x16xf32> to vector<16xf32>
    %sub3A_1344 = arith.subf %get3A_1338, %get3A_1343 : vector<16xf32>
    %swap3A_1345 = arith.constant 7 : i32
    %swap3A_1346 = arith.index_cast %swap3A_1345 : i32 to index
    %swap3A_1347 = arith.constant 32 : index
    %swap3A_1348 = tpu.vector_load %arg10[%swap3A_1346, %swap3A_1347] {strides = array<i32>} : memref<8x128xf32, #tpu.memory_space<vmem>>, vector<1x16xf32>,
    %swap3A_1349 = vector.shape_cast %swap3A_1348 : vector<1x16xf32> to vector<16xf32>
    %swap3A_1350 = vector.shape_cast %sub3A_1344 : vector<16xf32> to vector<1x16xf32>
    tpu.vector_store %arg10[%swap3A_1346, %swap3A_1347], %swap3A_1350 {strides = array<i32>} : memref<8x128xf32, #tpu.memory_space<vmem>>, vector<1x16xf32>,
    %get3A_1351 = arith.constant 7 : i32
    %get3A_1352 = arith.index_cast %get3A_1351 : i32 to index
    %get3A_1353 = arith.constant 48 : index
    %get3A_1354 = tpu.vector_load %arg8[%get3A_1352, %get3A_1353] {strides = array<i32>} : memref<8x128xf32, #tpu.memory_space<vmem>>, vector<1x16xf32>,
    %get3A_1355 = vector.shape_cast %get3A_1354 : vector<1x16xf32> to vector<16xf32>
    %get3A_1356 = arith.constant 7 : i32
    %get3A_1357 = arith.index_cast %get3A_1356 : i32 to index
    %get3A_1358 = arith.constant 48 : index
    %get3A_1359 = tpu.vector_load %arg9[%get3A_1357, %get3A_1358] {strides = array<i32>} : memref<8x128xf32, #tpu.memory_space<vmem>>, vector<1x16xf32>,
    %get3A_1360 = vector.shape_cast %get3A_1359 : vector<1x16xf32> to vector<16xf32>
    %sub3A_1361 = arith.subf %get3A_1355, %get3A_1360 : vector<16xf32>
    %swap3A_1362 = arith.constant 7 : i32
    %swap3A_1363 = arith.index_cast %swap3A_1362 : i32 to index
    %swap3A_1364 = arith.constant 48 : index
    %swap3A_1365 = tpu.vector_load %arg10[%swap3A_1363, %swap3A_1364] {strides = array<i32>} : memref<8x128xf32, #tpu.memory_space<vmem>>, vector<1x16xf32>,
    %swap3A_1366 = vector.shape_cast %swap3A_1365 : vector<1x16xf32> to vector<16xf32>
    %swap3A_1367 = vector.shape_cast %sub3A_1361 : vector<16xf32> to vector<1x16xf32>
    tpu.vector_store %arg10[%swap3A_1363, %swap3A_1364], %swap3A_1367 {strides = array<i32>} : memref<8x128xf32, #tpu.memory_space<vmem>>, vector<1x16xf32>,
    %get3A_1368 = arith.constant 7 : i32
    %get3A_1369 = arith.index_cast %get3A_1368 : i32 to index
    %get3A_1370 = arith.constant 64 : index
    %get3A_1371 = tpu.vector_load %arg8[%get3A_1369, %get3A_1370] {strides = array<i32>} : memref<8x128xf32, #tpu.memory_space<vmem>>, vector<1x16xf32>,
    %get3A_1372 = vector.shape_cast %get3A_1371 : vector<1x16xf32> to vector<16xf32>
    %get3A_1373 = arith.constant 7 : i32
    %get3A_1374 = arith.index_cast %get3A_1373 : i32 to index
    %get3A_1375 = arith.constant 64 : index
    %get3A_1376 = tpu.vector_load %arg9[%get3A_1374, %get3A_1375] {strides = array<i32>} : memref<8x128xf32, #tpu.memory_space<vmem>>, vector<1x16xf32>,
    %get3A_1377 = vector.shape_cast %get3A_1376 : vector<1x16xf32> to vector<16xf32>
    %sub3A_1378 = arith.subf %get3A_1372, %get3A_1377 : vector<16xf32>
    %swap3A_1379 = arith.constant 7 : i32
    %swap3A_1380 = arith.index_cast %swap3A_1379 : i32 to index
    %swap3A_1381 = arith.constant 64 : index
    %swap3A_1382 = tpu.vector_load %arg10[%swap3A_1380, %swap3A_1381] {strides = array<i32>} : memref<8x128xf32, #tpu.memory_space<vmem>>, vector<1x16xf32>,
    %swap3A_1383 = vector.shape_cast %swap3A_1382 : vector<1x16xf32> to vector<16xf32>
    %swap3A_1384 = vector.shape_cast %sub3A_1378 : vector<16xf32> to vector<1x16xf32>
    tpu.vector_store %arg10[%swap3A_1380, %swap3A_1381], %swap3A_1384 {strides = array<i32>} : memref<8x128xf32, #tpu.memory_space<vmem>>, vector<1x16xf32>,
    %get3A_1385 = arith.constant 7 : i32
    %get3A_1386 = arith.index_cast %get3A_1385 : i32 to index
    %get3A_1387 = arith.constant 80 : index
    %get3A_1388 = tpu.vector_load %arg8[%get3A_1386, %get3A_1387] {strides = array<i32>} : memref<8x128xf32, #tpu.memory_space<vmem>>, vector<1x16xf32>,
    %get3A_1389 = vector.shape_cast %get3A_1388 : vector<1x16xf32> to vector<16xf32>
    %get3A_1390 = arith.constant 7 : i32
    %get3A_1391 = arith.index_cast %get3A_1390 : i32 to index
    %get3A_1392 = arith.constant 80 : index
    %get3A_1393 = tpu.vector_load %arg9[%get3A_1391, %get3A_1392] {strides = array<i32>} : memref<8x128xf32, #tpu.memory_space<vmem>>, vector<1x16xf32>,
    %get3A_1394 = vector.shape_cast %get3A_1393 : vector<1x16xf32> to vector<16xf32>
    %sub3A_1395 = arith.subf %get3A_1389, %get3A_1394 : vector<16xf32>
    %swap3A_1396 = arith.constant 7 : i32
    %swap3A_1397 = arith.index_cast %swap3A_1396 : i32 to index
    %swap3A_1398 = arith.constant 80 : index
    %swap3A_1399 = tpu.vector_load %arg10[%swap3A_1397, %swap3A_1398] {strides = array<i32>} : memref<8x128xf32, #tpu.memory_space<vmem>>, vector<1x16xf32>,
    %swap3A_1400 = vector.shape_cast %swap3A_1399 : vector<1x16xf32> to vector<16xf32>
    %swap3A_1401 = vector.shape_cast %sub3A_1395 : vector<16xf32> to vector<1x16xf32>
    tpu.vector_store %arg10[%swap3A_1397, %swap3A_1398], %swap3A_1401 {strides = array<i32>} : memref<8x128xf32, #tpu.memory_space<vmem>>, vector<1x16xf32>,
    %get3A_1402 = arith.constant 7 : i32
    %get3A_1403 = arith.index_cast %get3A_1402 : i32 to index
    %get3A_1404 = arith.constant 96 : index
    %get3A_1405 = tpu.vector_load %arg8[%get3A_1403, %get3A_1404] {strides = array<i32>} : memref<8x128xf32, #tpu.memory_space<vmem>>, vector<1x16xf32>,
    %get3A_1406 = vector.shape_cast %get3A_1405 : vector<1x16xf32> to vector<16xf32>
    %get3A_1407 = arith.constant 7 : i32
    %get3A_1408 = arith.index_cast %get3A_1407 : i32 to index
    %get3A_1409 = arith.constant 96 : index
    %get3A_1410 = tpu.vector_load %arg9[%get3A_1408, %get3A_1409] {strides = array<i32>} : memref<8x128xf32, #tpu.memory_space<vmem>>, vector<1x16xf32>,
    %get3A_1411 = vector.shape_cast %get3A_1410 : vector<1x16xf32> to vector<16xf32>
    %sub3A_1412 = arith.subf %get3A_1406, %get3A_1411 : vector<16xf32>
    %swap3A_1413 = arith.constant 7 : i32
    %swap3A_1414 = arith.index_cast %swap3A_1413 : i32 to index
    %swap3A_1415 = arith.constant 96 : index
    %swap3A_1416 = tpu.vector_load %arg10[%swap3A_1414, %swap3A_1415] {strides = array<i32>} : memref<8x128xf32, #tpu.memory_space<vmem>>, vector<1x16xf32>,
    %swap3A_1417 = vector.shape_cast %swap3A_1416 : vector<1x16xf32> to vector<16xf32>
    %swap3A_1418 = vector.shape_cast %sub3A_1412 : vector<16xf32> to vector<1x16xf32>
    tpu.vector_store %arg10[%swap3A_1414, %swap3A_1415], %swap3A_1418 {strides = array<i32>} : memref<8x128xf32, #tpu.memory_space<vmem>>, vector<1x16xf32>,
    %get3A_1419 = arith.constant 7 : i32
    %get3A_1420 = arith.index_cast %get3A_1419 : i32 to index
    %get3A_1421 = arith.constant 112 : index
    %get3A_1422 = tpu.vector_load %arg8[%get3A_1420, %get3A_1421] {strides = array<i32>} : memref<8x128xf32, #tpu.memory_space<vmem>>, vector<1x16xf32>,
    %get3A_1423 = vector.shape_cast %get3A_1422 : vector<1x16xf32> to vector<16xf32>
    %get3A_1424 = arith.constant 7 : i32
    %get3A_1425 = arith.index_cast %get3A_1424 : i32 to index
    %get3A_1426 = arith.constant 112 : index
    %get3A_1427 = tpu.vector_load %arg9[%get3A_1425, %get3A_1426] {strides = array<i32>} : memref<8x128xf32, #tpu.memory_space<vmem>>, vector<1x16xf32>,
    %get3A_1428 = vector.shape_cast %get3A_1427 : vector<1x16xf32> to vector<16xf32>
    %sub3A_1429 = arith.subf %get3A_1423, %get3A_1428 : vector<16xf32>
    %swap3A_1430 = arith.constant 7 : i32
    %swap3A_1431 = arith.index_cast %swap3A_1430 : i32 to index
    %swap3A_1432 = arith.constant 112 : index
    %swap3A_1433 = tpu.vector_load %arg10[%swap3A_1431, %swap3A_1432] {strides = array<i32>} : memref<8x128xf32, #tpu.memory_space<vmem>>, vector<1x16xf32>,
    %swap3A_1434 = vector.shape_cast %swap3A_1433 : vector<1x16xf32> to vector<16xf32>
    %swap3A_1435 = vector.shape_cast %sub3A_1429 : vector<16xf32> to vector<1x16xf32>
    tpu.vector_store %arg10[%swap3A_1431, %swap3A_1432], %swap3A_1435 {strides = array<i32>} : memref<8x128xf32, #tpu.memory_space<vmem>>, vector<1x16xf32>,
    "tpu.region"() ({
      %run_scoped3A = tpu.sem_alloc : memref<!tpu.dma_semaphore, #tpu.memory_space<semaphore_mem>>
      %dma_start3A_1436 = arith.constant 0 : i32
      %dma_start3A_1437 = arith.constant 0 : i32
      %dma_start3A_1438 = tpu.memref_slice %arg5[%add3A, %dma_start3A_1436, %dma_start3A_1437] : memref<16x8x128xf32, #tpu.memory_space<hbm>> -> memref<1x8x128xf32, #tpu.memory_space<hbm>>
      %dma_start3A_1439 = tpu.memref_squeeze %dma_start3A_1438 : memref<1x8x128xf32, #tpu.memory_space<hbm>> -> memref<8x128xf32, #tpu.memory_space<hbm>>
      %dma_start3A_1440 = arith.constant 0 : i32
      %dma_start3A_1441 = arith.constant 0 : i32
      %dma_start3A_1442 = tpu.memref_slice %arg5[%add3A, %dma_start3A_1440, %dma_start3A_1441] : memref<16x8x128xf32, #tpu.memory_space<hbm>> -> memref<1x8x128xf32, #tpu.memory_space<hbm>>
      %dma_start3A_1443 = tpu.memref_squeeze %dma_start3A_1442 : memref<1x8x128xf32, #tpu.memory_space<hbm>> -> memref<8x128xf32, #tpu.memory_space<hbm>>
      tpu.enqueue_dma source(%arg10 : memref<8x128xf32, #tpu.memory_space<vmem>>) target(%dma_start3A_1443 : memref<8x128xf32, #tpu.memory_space<hbm>>) target_semaphore(%run_scoped3A : memref<!tpu.dma_semaphore, #tpu.memory_space<semaphore_mem>>)
      %dma_wait3A_1444 = arith.constant 0 : i32
      %dma_wait3A_1445 = arith.constant 0 : i32
      %dma_wait3A_1446 = tpu.memref_slice %arg5[%add3A, %dma_wait3A_1444, %dma_wait3A_1445] : memref<16x8x128xf32, #tpu.memory_space<hbm>> -> memref<1x8x128xf32, #tpu.memory_space<hbm>>
      %dma_wait3A_1447 = tpu.memref_squeeze %dma_wait3A_1446 : memref<1x8x128xf32, #tpu.memory_space<hbm>> -> memref<8x128xf32, #tpu.memory_space<hbm>>
      %dma_wait3A_1448 = arith.constant 0 : i32
      %dma_wait3A_1449 = arith.constant 0 : i32
      %dma_wait3A_1450 = tpu.memref_slice %arg5[%add3A, %dma_wait3A_1448, %dma_wait3A_1449] : memref<16x8x128xf32, #tpu.memory_space<hbm>> -> memref<1x8x128xf32, #tpu.memory_space<hbm>>
      %dma_wait3A_1451 = tpu.memref_squeeze %dma_wait3A_1450 : memref<1x8x128xf32, #tpu.memory_space<hbm>> -> memref<8x128xf32, #tpu.memory_space<hbm>>
      tpu.wait_dma2 semaphore(%run_scoped3A : memref<!tpu.dma_semaphore, #tpu.memory_space<semaphore_mem>>) src(%arg10 : memref<8x128xf32, #tpu.memory_space<vmem>>) dst(%dma_wait3A_1451 : memref<8x128xf32, #tpu.memory_space<hbm>>)
      tpu.yield
    }) : () -> ()
    return
  }
}

module attributes {stable_mosaic.version = 14 : i64} {
  func.func @_tc_scores_body(%arg0: memref<1000x64xbf16, #tpu.memory_space<vmem>>, %arg1: memref<1000x64xbf16, #tpu.memory_space<vmem>>, %arg2: memref<1x1000xf32, #tpu.memory_space<vmem>>, %arg3: memref<128x128xi32, #tpu.memory_space<vmem>>, %arg4: memref<128x128xi32, #tpu.memory_space<vmem>>, %arg5: memref<128x128xi32, #tpu.memory_space<vmem>>, %arg6: memref<1000x1024xf32, #tpu.memory_space<vmem>>, %arg7: memref<128x128xi32, #tpu.memory_space<vmem>>, %arg8: memref<128x128xi32, #tpu.memory_space<vmem>>) attributes {dimension_semantics = [], scalar_prefetch = 0 : i64, scratch_operands = 0 : i64, tpu.core_type = #tpu.core_type<tc>} {
    %get3A = arith.constant 0 : index
    %get3A_0 = arith.constant 0 : index
    %get3A_1 = vector.load %arg0[%get3A, %get3A_0] : memref<1000x64xbf16, #tpu.memory_space<vmem>>, vector<1000x64xbf16>
    %get3A_2 = arith.constant 0 : index
    %get3A_3 = arith.constant 0 : index
    %get3A_4 = vector.load %arg1[%get3A_2, %get3A_3] : memref<1000x64xbf16, #tpu.memory_space<vmem>>, vector<1000x64xbf16>
    %dot_general3A = arith.constant dense<0.000000e+00> : vector<1000x1000xf32>
    %dot_general3A_5 = tpu.matmul %get3A_1, %get3A_4, %dot_general3A {dimension_numbers = #tpu.dot_dimension_numbers<[1], [1], [0], [0], [0, 0, 1, 0], [], []>, transpose_lhs_hint = false} : vector<1000x64xbf16>, vector<1000x64xbf16>, vector<1000x1000xf32> -> vector<1000x1000xf32>
    %get3A_6 = arith.constant 0 : index
    %get3A_7 = arith.constant 0 : index
    %get3A_8 = vector.load %arg2[%get3A_6, %get3A_7] : memref<1x1000xf32, #tpu.memory_space<vmem>>, vector<1x1000xf32>
    %add3A = vector.broadcast %get3A_8 : vector<1x1000xf32> to vector<1000x1000xf32>
    %add3A_9 = arith.addf %dot_general3A_5, %add3A : vector<1000x1000xf32>
    %swap3A = arith.constant 0 : index
    %swap3A_10 = arith.constant 0 : index
    %swap3A_11 = vector.load %arg6[%swap3A, %swap3A_10] : memref<1000x1024xf32, #tpu.memory_space<vmem>>, vector<1000x1000xf32>
    tpu.vector_store %arg6[%swap3A, %swap3A_10], %add3A_9 {strides = array<i32>} : memref<1000x1024xf32, #tpu.memory_space<vmem>>, vector<1000x1000xf32>,
    %get3A_12 = arith.constant 0 : index
    %get3A_13 = arith.constant 0 : index
    %get3A_14 = vector.load %arg3[%get3A_12, %get3A_13] : memref<128x128xi32, #tpu.memory_space<vmem>>, vector<128x128xi32>
    %mul3A = arith.constant 1024 : i32
    %mul3A_15 = vector.broadcast %mul3A : i32 to vector<128x128xi32>
    %mul3A_16 = arith.muli %get3A_14, %mul3A_15 : vector<128x128xi32>
    %get3A_17 = arith.constant 0 : index
    %get3A_18 = arith.constant 0 : index
    %get3A_19 = vector.load %arg4[%get3A_17, %get3A_18] : memref<128x128xi32, #tpu.memory_space<vmem>>, vector<128x128xi32>
    %add3A_20 = arith.addi %mul3A_16, %get3A_19 : vector<128x128xi32>
    %swap3A_21 = arith.constant 0 : index
    %swap3A_22 = arith.constant 0 : index
    %swap3A_23 = vector.load %arg7[%swap3A_21, %swap3A_22] : memref<128x128xi32, #tpu.memory_space<vmem>>, vector<128x128xi32>
    tpu.vector_store %arg7[%swap3A_21, %swap3A_22], %add3A_20 {strides = array<i32>} : memref<128x128xi32, #tpu.memory_space<vmem>>, vector<128x128xi32>,
    %mul3A_24 = arith.constant 1024 : i32
    %mul3A_25 = vector.broadcast %mul3A_24 : i32 to vector<128x128xi32>
    %mul3A_26 = arith.muli %get3A_14, %mul3A_25 : vector<128x128xi32>
    %get3A_27 = arith.constant 0 : index
    %get3A_28 = arith.constant 0 : index
    %get3A_29 = vector.load %arg5[%get3A_27, %get3A_28] : memref<128x128xi32, #tpu.memory_space<vmem>>, vector<128x128xi32>
    %add3A_30 = arith.addi %mul3A_26, %get3A_29 : vector<128x128xi32>
    %swap3A_31 = arith.constant 0 : index
    %swap3A_32 = arith.constant 0 : index
    %swap3A_33 = vector.load %arg8[%swap3A_31, %swap3A_32] : memref<128x128xi32, #tpu.memory_space<vmem>>, vector<128x128xi32>
    tpu.vector_store %arg8[%swap3A_31, %swap3A_32], %add3A_30 {strides = array<i32>} : memref<128x128xi32, #tpu.memory_space<vmem>>, vector<128x128xi32>,
    return
  }
}

module attributes {stable_mosaic.version = 14 : i64} {
  func.func @_tc_loss_body(%arg0: memref<128x128xf32, #tpu.memory_space<vmem>>, %arg1: memref<1x1xf32, #tpu.memory_space<smem>>) attributes {dimension_semantics = [], scalar_prefetch = 0 : i64, scratch_operands = 0 : i64, tpu.core_type = #tpu.core_type<tc>} {
    %get3A = arith.constant 0 : index
    %get3A_0 = arith.constant 0 : index
    %get3A_1 = vector.load %arg0[%get3A, %get3A_0] : memref<128x128xf32, #tpu.memory_space<vmem>>, vector<128x128xf32>
    %logistic3A = arith.negf %get3A_1 : vector<128x128xf32>
    %logistic3A_2 = math.exp %logistic3A : vector<128x128xf32>
    %logistic3A_3 = arith.constant 1.000000e+00 : f32
    %logistic3A_4 = vector.broadcast %logistic3A_3 : f32 to vector<128x128xf32>
    %logistic3A_5 = arith.addf %logistic3A_4, %logistic3A_2 : vector<128x128xf32>
    %logistic3A_6 = arith.divf %logistic3A_4, %logistic3A_5 : vector<128x128xf32>
    %log3A = math.log %logistic3A_6 : vector<128x128xf32>
    %reduce_sum3A = vector.shape_cast %log3A : vector<128x128xf32> to vector<1x128x128xf32>
    %reduce_sum3A_7 = arith.constant dense<0.000000e+00> : vector<1xf32>
    %reduce_sum3A_8 = vector.multi_reduction <add>, %reduce_sum3A, %reduce_sum3A_7 [1, 2] : vector<1x128x128xf32> to vector<1xf32>
    %reduce_sum3A_9 = vector.shape_cast %reduce_sum3A_8 : vector<1xf32> to vector<1x1x1xf32>
    %reduce_sum3A_10 = vector.extract %reduce_sum3A_9[0, 0, 0] : f32 from vector<1x1x1xf32>
    %div3A = arith.constant 1.638400e+04 : f32
    %div3A_11 = arith.divf %reduce_sum3A_10, %div3A : f32
    %neg3A = arith.constant 0.000000e+00 : f32
    %neg3A_12 = arith.subf %neg3A, %div3A_11 : f32
    %swap3A = arith.constant 0 : index
    %swap3A_13 = arith.constant 0 : index
    %swap3A_14 = memref.load %arg1[%swap3A, %swap3A_13] : memref<1x1xf32, #tpu.memory_space<smem>>
    memref.store %neg3A_12, %arg1[%swap3A, %swap3A_13] : memref<1x1xf32, #tpu.memory_space<smem>>
    return
  }
}

</mosaic_0001>

<sc_bundles>
// kernel: kernel.5.cloned.1.call-start
scs
__scs_entry_jumppad:
0x0: {  	(pc) =	sbr.rel $0x88, $3  }
0x1: {  	(tag) =	ssettag $0x0;
	lr =	simm.s32 $0x1  }
0x2: {  	[smem:$0x3F9B] =	sst lr;
	_ =	strace $0xD0000000  }
0x3: {  	_ = 	snop  }
0x4: {  	_ = 	snop  }
0x5: {  	_ = 	snop  }
0x6: {  	_ = 	snop  }
0x7: {  	_ = 	snop  }
__scs_overlays_trampoline_lowered:
0x8: {  	[smem:$0x3FAA] =	sst s0  }
0x9: {  	[smem:$0x3FAB] =	sst s1  }
0xa: {  	[smem:$0x3FAC] =	sst s2  }
0xb: {  	[smem:$0x3FAD] =	sst s3  }
0xc: {  	[smem:$0x3FAE] =	sst s4  }
0xd: {  	[smem:$0x3FAF] =	sst s5  }
0xe: {  	[smem:$0x3FB0] =	sst s6  }
0xf: {  	[smem:$0x3FB1] =	sst s7  }
0x10: {  	[smem:$0x3FB2] =	sst s8  }
0x11: {  	[smem:$0x3FB3] =	sst s9;
	s0 =	simm.s32 @!p0 $0x0  }
0x12: {  	s1 =	sld [smem:$0x3F99];
	s0 =	simm.s32 @p0 $0x1  }
0x13: {  	[smem:$0x3FB4] =	sst s0;
	s0 =	simm.s32 @!p1 $0x0  }
0x14: {  	s2 =	sld [smem:$0x3F98];
	s0 =	simm.s32 @p1 $0x1  }
0x15: {  	[smem:$0x3FB5] =	sst s0;
	s0 =	simm.s32 @!p2 $0x0  }
0x16: {  	s3 =	sld [smem:$0x3FDB];
	s0 =	simm.s32 @p2 $0x1  }
0x17: {  	s4 =	simm.s32 $0x1BF5;
	[smem:$0x3FB7] =	sst s0  }
0x18: {  	s0 =	sld [smem:$0x3F9A];
	_ =	swait.ge [sflag:s4], $0x0  }
0x19: {  	s7 =	sld [smem:$0x3F9B]  }
0x1a: {  	s8 =	sadd.s32 $0xFFFFE003, lr  }
0x1b: {  	s9 =	sadd.s32 $0xFFFFFEF7, lr;
	s5 =	simm.s32 $0xFFFFFFFF;
	p2 =	slt.u32 s8, $0xFFFFF086  }
0x1c: {  	p1 =	slt.u32 s9, $0xF7A;
	s5 =	simm.s32 @!p2 $0x0  }
0x1d: {  	s5 =	simm.s32 @p1 $0x1;
	p0 =	seq.s32 s7, s2  }
0x1e: {  	s7 =	smul.u32 @!p0 $0xF7A, s2;
	p2 =	seq.s32 @!p0 s5, $0x0  }
0x1f: {  	s9 =	smul.u32 $0xF7A, s1;
	s8 =	simm.s32 @!p0 $0x1BF5;
	p2 =	por !p2, p0  }
0x20: {  	[sflag:s8] =	ssyncset.s32 @!p0 $0xFFFFF086;
	s6 =	sadd.s32 @!p0 s3, s7;
	s7 =	simm.s32 @!p0 $0x108  }
0x21: {  	s3 =	sadd.s32 s3, s9;
	s6 =	sadd.s32 @!p0 $0x88, s6;
	s7 =	simm.s32 @p2 $0x1082  }
0x22: {  	[simem:s7], [sflag:s8] =	dma.local @!p0 [hbm:s6], $0xF7A  }
0x23: {  	s9 =	sor.u32 $0xD0000000, s2;
	s6 =	simm.s32 $0x108;
	_ =	swait.ge @!p0 [sflag:s8], $0x0  }
0x24: {  	s3 =	sadd.s32 $0x88, s3;
	s6 =	simm.s32 @!p1 $0x1082;
	[sflag:s4] =	ssyncset.s32 $0xFFFFF086  }
0x25: {  	[simem:s6], [sflag:s4] =	dma.local [hbm:s3], $0xF7A  }
0x26: {  	[smem:$0x3F9B] =	sst s1;
	(tag) =	ssettag s2;
	_ =	strace s9  }
0x27: {  	s1 =	sld [smem:$0x3FAB]  }
0x28: {  	s2 =	sld [smem:$0x3FAC]  }
0x29: {  	s4 =	sld [smem:$0x3FAE]  }
0x2a: {  	p0 =	seq.s32 s5, $0x0;
	s5 =	sld [smem:$0x3FAF]  }
0x2b: {  	s6 =	sld [smem:$0x3FB0]  }
0x2c: {  	s7 =	sld [smem:$0x3FB1]  }
0x2d: {  	s3 =	simm.s32 $0x108;
	s8 =	sld [smem:$0x3FB2]  }
0x2e: {  	s3 =	simm.s32 @!p0 $0x1082;
	s9 =	sld [smem:$0x3FB3]  }
0x2f: {  	lr =	sadd.s32 s0, s3;
	s0 =	sld [smem:$0x3FAA]  }
0x30: {  	s3 =	sld [smem:$0x3FAD]  }
0x31: {  	[smem:$0x3FB6] =	sst s10  }
0x32: {  	s10 =	sld [smem:$0x3FB4];
	_ =	sdelay $0x3  }
0x33: {  	p0 =	seq.s32 s10, $0x1;
	s10 =	sld [smem:$0x3FB6];
	_ =	sdelay $0x3  }
0x34: {  	[smem:$0x3FB6] =	sst s10  }
0x35: {  	s10 =	sld [smem:$0x3FB5];
	_ =	sdelay $0x3  }
0x36: {  	p1 =	seq.s32 s10, $0x1;
	s10 =	sld [smem:$0x3FB6];
	_ =	sdelay $0x3  }
0x37: {  	[smem:$0x3FB6] =	sst s10  }
0x38: {  	s10 =	sld [smem:$0x3FB7]  }
0x39: {  	_ = 	snop;
	(pc) =	sbr.ind lr, $3  }
0x3a: {  	_ = 	snop  }
0x3b: {  	_ = 	snop  }
0x3c: {  	p2 =	seq.s32 s10, $0x1;
	s10 =	sld [smem:$0x3FB6]  }
0x3d: {  	_ =	shalt  }
0x3e: {  	_ =	shalt  }
0x3f: {  	_ =	shalt  }
0x40: {  	_ =	shalt  }
0x41: {  	_ =	shalt  }
0x42: {  	_ =	shalt  }
0x43: {  	_ =	shalt  }
0x44: {  	_ =	shalt  }
0x45: {  	_ =	shalt  }
0x46: {  	_ =	shalt  }
0x47: {  	_ =	shalt  }
0x48: {  	_ =	shalt  }
0x49: {  	_ =	shalt  }
0x4a: {  	_ =	shalt  }
0x4b: {  	_ =	shalt  }
0x4c: {  	_ =	shalt  }
0x4d: {  	_ =	shalt  }
0x4e: {  	_ =	shalt  }
0x4f: {  	_ =	shalt  }
0x50: {  	_ =	shalt  }
0x51: {  	_ =	shalt  }
0x52: {  	_ =	shalt  }
0x53: {  	_ =	shalt  }
0x54: {  	_ =	shalt  }
0x55: {  	_ =	shalt  }
0x56: {  	_ =	shalt  }
0x57: {  	_ =	shalt  }
0x58: {  	_ =	shalt  }
0x59: {  	_ =	shalt  }
0x5a: {  	_ =	shalt  }
0x5b: {  	_ =	shalt  }
0x5c: {  	_ =	shalt  }
0x5d: {  	_ =	shalt  }
0x5e: {  	_ =	shalt  }
0x5f: {  	_ =	shalt  }
0x60: {  	_ =	shalt  }
0x61: {  	_ =	shalt  }
0x62: {  	_ =	shalt  }
0x63: {  	_ =	shalt  }
0x64: {  	_ =	shalt  }
0x65: {  	_ =	shalt  }
0x66: {  	_ =	shalt  }
0x67: {  	_ =	shalt  }
0x68: {  	_ =	shalt  }
0x69: {  	_ =	shalt  }
0x6a: {  	_ =	shalt  }
0x6b: {  	_ =	shalt  }
0x6c: {  	_ =	shalt  }
0x6d: {  	_ =	shalt  }
0x6e: {  	_ =	shalt  }
0x6f: {  	_ =	shalt  }
0x70: {  	_ =	shalt  }
0x71: {  	_ =	shalt  }
0x72: {  	_ =	shalt  }
0x73: {  	_ =	shalt  }
0x74: {  	_ =	shalt  }
0x75: {  	_ =	shalt  }
0x76: {  	_ =	shalt  }
0x77: {  	_ =	shalt  }
0x78: {  	_ =	shalt  }
0x79: {  	_ =	shalt  }
0x7a: {  	_ =	shalt  }
0x7b: {  	_ =	shalt  }
0x7c: {  	_ =	shalt  }
0x7d: {  	_ =	shalt  }
0x7e: {  	_ =	shalt  }
0x7f: {  	_ =	shalt  }
0x80: {  	_ =	shalt  }
0x81: {  	_ =	shalt  }
0x82: {  	_ =	shalt  }
0x83: {  	_ =	shalt  }
0x84: {  	_ =	shalt  }
0x85: {  	_ =	shalt  }
0x86: {  	_ =	shalt  }
0x87: {  	_ =	shalt  }
.Lfunc_end0:
.L_simem_size_0:
called_computation_lowered:
.L_overlay_start_0:
0x88: {  	s0 =	sld [smem:$0x3FD9]  }
0x89: {  	s1 =	sld [smem:$0x3FFE];
	_ =	sdelay $0x3  }
0x8a: {  	s0 =	sadd.s32 s1, s0  }
0x8b: {  	[smem:$0x3FC2] =	sst s0  }
0x8c: {  	_ = 	snop  }
0x8d: {  	(tm) =	ssettm $0x1  }
0x8e: {  	s15 =	sld [smem:$0x3FFB];
	_ =	sdelay $0x3  }
0x8f: {  	_ =	strace s15  }
0x90: {  	s0 =	sld [smem:$0x3FFC];
	_ =	sdelay $0x3  }
0x91: {  	_ =	strace s0  }
0x92: {  	s0 =	sld [smem:$0x3FFD];
	_ =	sdelay $0x3  }
0x93: {  	_ =	strace s0  }
0x94: {  	_ =	strace $0x8FFFFFFF  }
0x95: {  	s16 =	sld [smem:$0x3FDB];
	_ =	sdelay $0x1  }
0x96: {  	s17 =	simm.s32 $_scs_section_size  }
0x97: {  	s2 =	simm.s32 $_size__tile_overlayer_lowered;
	s3 =	simm.s32 $_tile_overlayer_lowered  }
0x98: {  	s20 =	simm.s32 $0x1BFF;
	s19 =	sshll.u32 s3, $0x1;
	s0 =	sadd.s32 s17, s16  }
0x99: {  	s4 =	simm.s32 $0x0;
	s18 =	sshll.u32 s2, $0x1;
	s2 =	sadd.s32 s19, s0  }
0x9a: {  	[timem:s4], [sflag:s20] =	dma.local [hbm:s2], s18  }
0x9b: {  	_ =	swait.ge [sflag:s20], s18  }
0x9c: {  	s1 =	ssub.s32 $0x0, s18;
	[sflag:s20] =	ssyncset.done $0x0  }
0x9d: {  	[sflag:s20] =	ssyncadd.s32 s1;
	_ =	sdelay $0x1  }
0x9e: {  	s21 =	simm.s32 $0x1B8B  }
0x9f: {  	_ =	swait.ge [sflag:s21], $0x1  }
0xa0: {  	[sflag:s21] =	ssyncset.done $0x0  }
0xa1: {  	s23 =	simm.s32 $0x1B8E;
	s22 =	sld [smem:$0x3FFE];
	[sflag:s21] =	ssyncadd.s32 $0xFFFFFFFF  }
0xa2: {  	s24 =	simm.s32 $execute0_lowered;
	[smem:$0x3FD2] =	sst s23  }
0xa3: {  	s2 =	sshll.u32 s24, $0x1;
	_ =	strace $0x80000046;
	[dreg:$0x1] =	wrdreg $0xFFFFFFFF  }
0xa4: {  	s25 =	simm.s32 $_size_execute0_lowered;
	s0 =	sadd.s32 s0, s2;
	[dreg:$0x0] =	wrdreg $0x0  }
0xa5: {  	s2 =	sshll.u32 s25, $0x1;
	[dreg:$0x2] =	wrdreg s0  }
0xa6: {  	[dreg:$0x3] =	wrdreg s2  }
0xa7: {  	[dreg:$0x4] =	wrdreg $0xC0  }
0xa8: {  	_ =	task [dreg:s4], $0x5FFFF  }
0xa9: {  	[dreg:$0x1] =	wrdreg $0xFFFFFFFF  }
0xaa: {  	[dreg:$0x0] =	wrdreg $0x60  }
0xab: {  	[dreg:$0x2] =	wrdreg s22  }
0xac: {  	[dreg:$0x3] =	wrdreg $0x9  }
0xad: {  	_ =	task.clear_ibuf [dreg:s4], $0x4FFFF;
	_ =	strace $0x90000046  }
0xae: {  	s26 =	simm.s32 $0x9;
	_ =	strace $0x80000048  }
0xaf: {  	_ =	swait.ge [sflag:s26], $0x1  }
0xb0: {  	[sflag:s26] =	ssyncadd.s32 $0xFFFFFFFF  }
0xb1: {  	_ =	strace $0x90000048  }
0xb2: {  	_ =	sfence  }
0xb3: {  	s28 =	sld [smem:$0x0];
	_ =	sdelay $0x1  }
0xb4: {  	s29 =	srdreg.scid  }
0xb5: {  	s30 =	sshll.u32 s29, $0xD;
	s31 =	sshrl.u32 s29, $0x2  }
0xb6: {  	s1 =	sand.u32 $0x1, s29;
	s2 =	sand.u32 $0x4000, s30;
	s0 =	sadd.s32 s31, s28  }
0xb7: {  	s1 =	sor.u32 s2, s1;
	s0 =	sshll.u32 s0, $0x11  }
0xb8: {  	s0 =	sor.u32 s0, s1  }
0xb9: {  	s0 =	sadd.s32 $0x8F2B, s0  }
0xba: {  	[sflag:s0] =	ssyncadd.remote.s32 $0x1  }
0xbb: {  	_ =	sfence.sel $0xFFFF  }
0xbc: {  	[dreg:$0x0] =	wrdreg $0xFFFFFFFF;
	(pc) =	sbr.abs _section_cstart, $3  }
0xbd: {  	[dreg:$0x1] =	wrdreg $0xFFFFFFFF  }
0xbe: {  	_ =	task.clear_ibuf [dreg:s4], $0x2FFFF;
	_ =	strace $0x9FFFFFFF  }
0xbf: {  	(tm) =	ssettm $0x7FFFFFFF  }
tec
execute0_lowered:
.L_overlay_start_1:
0x0: {  	(tag) =	ssettag $0x1  }
0x1: {  	s1 =	stileid.u32  }
0x2: {  	s5 =	rddreg [dreg:$0x0];
	s2 =	simm.s32 $0x0;
	s3 =	sshll.u32 s1, $0x7  }
0x3: {  	[smem:$0x7FF] =	sst s2;
	s3 =	sadd.s32 s3, s5  }
0x4: {  	s0 =	rddreg [dreg:$0x1];
	_ =	strace $0x80000047;
	s4 =	sadd.s32 $0x1400, s3  }
0x5: {  	[tilespmem:s2], [sflag:$0x1] =	stream.linear.gather [hbm4b:s4+s2], $0x400, $0x38;
	[tilespmem:$0x1400] =	vst v63  }
0x6: {  	s6 =	simm.s32 $0x400;
	s22 =	sadd.s32 $0x1C00, s3;
	s4 =	simm.s32 $0x1  }
0x7: {  	[tilespmem:s6], [sflag:$0x1] =	stream.linear.gather [hbm4b:s22+s2], $0x400, $0x38;
	[tilespmem:$0x1400] =	vst v63  }
0x8: {  	_ =	swait.ge [sflag:s4], $0x400  }
0x9: {  	[sflag:s4] =	ssyncset.done $0x0  }
0xa: {  	[sflag:s4] =	ssyncadd.s32 $0xFFFFFC00  }
0xb: {  	_ =	swait.ge [sflag:s4], $0x400  }
0xc: {  	s7 =	simm.s32 $0x80;
	[sflag:s4] =	ssyncset.done $0x0  }
0xd: {  	s8 =	simm.s32 $0x800;
	s5 =	sadd.s32 $0x2400, s5;
	[sflag:s4] =	ssyncadd.s32 $0xFFFFFC00  }
0xe: {  	[tilespmem:s8], [sflag:$0x1] =	stream.indirect.gather [hbm4b:s5+s7], $0x1, s2, s7, $0xb8;
	[tilespmem:$0x1400] =	vst v63  }
0xf: {  	s23 =	simm.s32 $0xC00  }
0x10: {  	[tilespmem:s23], [sflag:$0x1] =	stream.indirect.gather [hbm4b:s5+s7], $0x1, s6, s7, $0xb8;
	[tilespmem:$0x1400] =	vst v63  }
0x11: {  	s24 =	simm.s32 $0x880  }
0x12: {  	[tilespmem:s24], [sflag:$0x1] =	stream.indirect.gather [hbm4b:s5+s7], $0x1, s7, s7, $0xb8;
	[tilespmem:$0x1400] =	vst v63  }
0x13: {  	s25 =	simm.s32 $0x480;
	s26 =	simm.s32 $0xC80  }
0x14: {  	[tilespmem:s26], [sflag:$0x1] =	stream.indirect.gather [hbm4b:s5+s7], $0x1, s25, s7, $0xb8;
	[tilespmem:$0x1400] =	vst v63  }
0x15: {  	s28 =	simm.s32 $0x100;
	s29 =	simm.s32 $0x900  }
0x16: {  	[tilespmem:s29], [sflag:$0x1] =	stream.indirect.gather [hbm4b:s5+s7], $0x1, s28, s7, $0xb8;
	[tilespmem:$0x1400] =	vst v63  }
0x17: {  	s30 =	simm.s32 $0x500;
	s31 =	simm.s32 $0xD00  }
0x18: {  	[tilespmem:s31], [sflag:$0x1] =	stream.indirect.gather [hbm4b:s5+s7], $0x1, s30, s7, $0xb8;
	[tilespmem:$0x1400] =	vst v63  }
0x19: {  	s9 =	simm.s32 $0x180;
	s10 =	simm.s32 $0x980  }
0x1a: {  	[tilespmem:s10], [sflag:$0x1] =	stream.indirect.gather [hbm4b:s5+s7], $0x1, s9, s7, $0xb8;
	[tilespmem:$0x1400] =	vst v63  }
0x1b: {  	s11 =	simm.s32 $0x580;
	s12 =	simm.s32 $0xD80  }
0x1c: {  	[tilespmem:s12], [sflag:$0x1] =	stream.indirect.gather [hbm4b:s5+s7], $0x1, s11, s7, $0xb8;
	[tilespmem:$0x1400] =	vst v63  }
0x1d: {  	s13 =	simm.s32 $0x200;
	s14 =	simm.s32 $0xA00  }
0x1e: {  	[tilespmem:s14], [sflag:$0x1] =	stream.indirect.gather [hbm4b:s5+s7], $0x1, s13, s7, $0xb8;
	[tilespmem:$0x1400] =	vst v63  }
0x1f: {  	s15 =	simm.s32 $0x600;
	s16 =	simm.s32 $0xE00  }
0x20: {  	[tilespmem:s16], [sflag:$0x1] =	stream.indirect.gather [hbm4b:s5+s7], $0x1, s15, s7, $0xb8;
	[tilespmem:$0x1400] =	vst v63  }
0x21: {  	s17 =	simm.s32 $0x280;
	s18 =	simm.s32 $0xA80  }
0x22: {  	[tilespmem:s18], [sflag:$0x1] =	stream.indirect.gather [hbm4b:s5+s7], $0x1, s17, s7, $0xb8;
	[tilespmem:$0x1400] =	vst v63  }
0x23: {  	s19 =	simm.s32 $0x680;
	s20 =	simm.s32 $0xE80  }
0x24: {  	[tilespmem:s20], [sflag:$0x1] =	stream.indirect.gather [hbm4b:s5+s7], $0x1, s19, s7, $0xb8;
	[tilespmem:$0x1400] =	vst v63  }
0x25: {  	s21 =	simm.s32 $0x300;
	s22 =	simm.s32 $0xB00  }
0x26: {  	[tilespmem:s22], [sflag:$0x1] =	stream.indirect.gather [hbm4b:s5+s7], $0x1, s21, s7, $0xb8;
	[tilespmem:$0x1400] =	vst v63  }
0x27: {  	s23 =	simm.s32 $0x700;
	s24 =	simm.s32 $0xF00  }
0x28: {  	[tilespmem:s24], [sflag:$0x1] =	stream.indirect.gather [hbm4b:s5+s7], $0x1, s23, s7, $0xb8;
	[tilespmem:$0x1400] =	vst v63  }
0x29: {  	s25 =	simm.s32 $0x380;
	s26 =	simm.s32 $0xB80  }
0x2a: {  	[tilespmem:s26], [sflag:$0x1] =	stream.indirect.gather [hbm4b:s5+s7], $0x1, s25, s7, $0xb8;
	[tilespmem:$0x1400] =	vst v63  }
0x2b: {  	s28 =	simm.s32 $0x780;
	s29 =	simm.s32 $0xF80  }
0x2c: {  	[tilespmem:s29], [sflag:$0x1] =	stream.indirect.gather [hbm4b:s5+s7], $0x1, s28, s7, $0xb8;
	[tilespmem:$0x1400] =	vst v63  }
0x2d: {  	_ =	swait.ge [sflag:s4], $0x80  }
0x2e: {  	[sflag:s4] =	ssyncset.done $0x0  }
0x2f: {  	[sflag:s4] =	ssyncadd.s32 $0xFFFFFF80  }
0x30: {  	_ =	swait.ge [sflag:s4], $0x80  }
0x31: {  	[sflag:s4] =	ssyncset.done $0x0  }
0x32: {  	[sflag:s4] =	ssyncadd.s32 $0xFFFFFF80  }
0x33: {  	_ =	swait.ge [sflag:s4], $0x80  }
0x34: {  	[sflag:s4] =	ssyncset.done $0x0  }
0x35: {  	[sflag:s4] =	ssyncadd.s32 $0xFFFFFF80  }
0x36: {  	_ =	swait.ge [sflag:s4], $0x80  }
0x37: {  	[sflag:s4] =	ssyncset.done $0x0  }
0x38: {  	[sflag:s4] =	ssyncadd.s32 $0xFFFFFF80  }
0x39: {  	_ =	swait.ge [sflag:s4], $0x80  }
0x3a: {  	[sflag:s4] =	ssyncset.done $0x0  }
0x3b: {  	[sflag:s4] =	ssyncadd.s32 $0xFFFFFF80  }
0x3c: {  	_ =	swait.ge [sflag:s4], $0x80  }
0x3d: {  	[sflag:s4] =	ssyncset.done $0x0  }
0x3e: {  	[sflag:s4] =	ssyncadd.s32 $0xFFFFFF80  }
0x3f: {  	_ =	swait.ge [sflag:s4], $0x80  }
0x40: {  	[sflag:s4] =	ssyncset.done $0x0  }
0x41: {  	[sflag:s4] =	ssyncadd.s32 $0xFFFFFF80  }
0x42: {  	_ =	swait.ge [sflag:s4], $0x80  }
0x43: {  	[sflag:s4] =	ssyncset.done $0x0  }
0x44: {  	[sflag:s4] =	ssyncadd.s32 $0xFFFFFF80  }
0x45: {  	_ =	swait.ge [sflag:s4], $0x80  }
0x46: {  	[sflag:s4] =	ssyncset.done $0x0  }
0x47: {  	[sflag:s4] =	ssyncadd.s32 $0xFFFFFF80  }
0x48: {  	_ =	swait.ge [sflag:s4], $0x80  }
0x49: {  	[sflag:s4] =	ssyncset.done $0x0  }
0x4a: {  	[sflag:s4] =	ssyncadd.s32 $0xFFFFFF80  }
0x4b: {  	_ =	swait.ge [sflag:s4], $0x80  }
0x4c: {  	[sflag:s4] =	ssyncset.done $0x0  }
0x4d: {  	[sflag:s4] =	ssyncadd.s32 $0xFFFFFF80  }
0x4e: {  	_ =	swait.ge [sflag:s4], $0x80  }
0x4f: {  	[sflag:s4] =	ssyncset.done $0x0  }
0x50: {  	[sflag:s4] =	ssyncadd.s32 $0xFFFFFF80  }
0x51: {  	_ =	swait.ge [sflag:s4], $0x80  }
0x52: {  	[sflag:s4] =	ssyncset.done $0x0  }
0x53: {  	[sflag:s4] =	ssyncadd.s32 $0xFFFFFF80  }
0x54: {  	_ =	swait.ge [sflag:s4], $0x80  }
0x55: {  	[sflag:s4] =	ssyncset.done $0x0  }
0x56: {  	[sflag:s4] =	ssyncadd.s32 $0xFFFFFF80  }
0x57: {  	_ =	swait.ge [sflag:s4], $0x80  }
0x58: {  	[sflag:s4] =	ssyncset.done $0x0  }
0x59: {  	[sflag:s4] =	ssyncadd.s32 $0xFFFFFF80  }
0x5a: {  	_ =	swait.ge [sflag:s4], $0x80  }
0x5b: {  	[sflag:s4] =	ssyncset.done $0x0  }
0x5c: {  	[sflag:s4] =	ssyncadd.s32 $0xFFFFFF80  }
0x5d: {  	v0 =	vld [tilespmem:$0x800]  }
0x5e: {  	v1 =	vld [tilespmem:$0xC00]  }
0x5f: {  	v2 =	vld [tilespmem:$0x810]  }
0x60: {  	v3 =	vld [tilespmem:$0xC10]  }
0x61: {  	v4 =	vld [tilespmem:$0x820]  }
0x62: {  	v5 =	vld [tilespmem:$0xC20]  }
0x63: {  	v6 =	vld [tilespmem:$0x830]  }
0x64: {  	v7 =	vld [tilespmem:$0xC30]  }
0x65: {  	v8 =	vld [tilespmem:$0x840]  }
0x66: {  	v9 =	vld [tilespmem:$0xC40]  }
0x67: {  	v10 =	vld [tilespmem:$0x850]  }
0x68: {  	v11 =	vld [tilespmem:$0xC50]  }
0x69: {  	v12 =	vld [tilespmem:$0x860]  }
0x6a: {  	v13 =	vld [tilespmem:$0xC60]  }
0x6b: {  	v14 =	vld [tilespmem:$0x870]  }
0x6c: {  	v15 =	vld [tilespmem:$0xC70]  }
0x6d: {  	v16 =	vld [tilespmem:$0x880]  }
0x6e: {  	v17 =	vld [tilespmem:$0xC80]  }
0x6f: {  	v18 =	vld [tilespmem:$0x890]  }
0x70: {  	v19 =	vld [tilespmem:$0xC90]  }
0x71: {  	v20 =	vld [tilespmem:$0x8A0]  }
0x72: {  	v21 =	vld [tilespmem:$0xCA0]  }
0x73: {  	v22 =	vld [tilespmem:$0x8B0]  }
0x74: {  	v23 =	vld [tilespmem:$0xCB0]  }
0x75: {  	v24 =	vld [tilespmem:$0x8C0]  }
0x76: {  	v25 =	vld [tilespmem:$0xCC0]  }
0x77: {  	v26 =	vld [tilespmem:$0x8D0]  }
0x78: {  	v27 =	vld [tilespmem:$0xCD0]  }
0x79: {  	v28 =	vld [tilespmem:$0x8E0]  }
0x7a: {  	v29 =	vld [tilespmem:$0xCE0]  }
0x7b: {  	v30 =	vld [tilespmem:$0x8F0]  }
0x7c: {  	v31 =	vld [tilespmem:$0xCF0]  }
0x7d: {  	v32 =	vld [tilespmem:$0x900]  }
0x7e: {  	v33 =	vld [tilespmem:$0xD00]  }
0x7f: {  	v34 =	vld [tilespmem:$0x910]  }
0x80: {  	v35 =	vld [tilespmem:$0xD10]  }
0x81: {  	v36 =	vld [tilespmem:$0x920]  }
0x82: {  	v37 =	vld [tilespmem:$0xD20]  }
0x83: {  	v38 =	vld [tilespmem:$0x930]  }
0x84: {  	v39 =	vld [tilespmem:$0xD30]  }
0x85: {  	v40 =	vld [tilespmem:$0x940]  }
0x86: {  	v41 =	vld [tilespmem:$0xD40]  }
0x87: {  	v42 =	vld [tilespmem:$0x950]  }
0x88: {  	v43 =	vld [tilespmem:$0xD50]  }
0x89: {  	v44 =	vld [tilespmem:$0x960]  }
0x8a: {  	v45 =	vld [tilespmem:$0xD60]  }
0x8b: {  	v46 =	vld [tilespmem:$0x970]  }
0x8c: {  	v47 =	vld [tilespmem:$0xD70]  }
0x8d: {  	v48 =	vld [tilespmem:$0x980]  }
0x8e: {  	v49 =	vld [tilespmem:$0xD80]  }
0x8f: {  	v50 =	vld [tilespmem:$0x990]  }
0x90: {  	v51 =	vld [tilespmem:$0xD90]  }
0x91: {  	v52 =	vld [tilespmem:$0x9A0]  }
0x92: {  	v53 =	vld [tilespmem:$0xDA0]  }
0x93: {  	v54 =	vld [tilespmem:$0x9B0]  }
0x94: {  	v55 =	vld [tilespmem:$0xDB0]  }
0x95: {  	v56 =	vld [tilespmem:$0x9C0]  }
0x96: {  	v57 =	vld [tilespmem:$0xDC0]  }
0x97: {  	v58 =	vld [tilespmem:$0x9D0]  }
0x98: {  	v62 =	vld [tilespmem:$0x9F0]  }
0x99: {  	v59 =	vld [tilespmem:$0xDD0]  }
0x9a: {  	v60 =	vld [tilespmem:$0x9E0]  }
0x9b: {  	v61 =	vld [tilespmem:$0xDE0]  }
0x9c: {  	v63 =	vld [tilespmem:$0xDF0]  }
0x9d: {  	[tilespmem:$0x1FFA0] =	vst v62;
	v62 =	vld [tilespmem:$0xA00]  }
0x9e: {  	v0 =	vsub.f32 v0, v1;
	v1 =	vld [tilespmem:$0xE20]  }
0x9f: {  	v2 =	vsub.f32 v2, v3;
	v3 =	vld [tilespmem:$0xA30]  }
0xa0: {  	v9 =	vsub.f32 v8, v9;
	v8 =	vld [tilespmem:$0xE50]  }
0xa1: {  	v13 =	vsub.f32 v12, v13;
	v12 =	vld [tilespmem:$0xE70]  }
0xa2: {  	v15 =	vsub.f32 v14, v15;
	v14 =	vld [tilespmem:$0xE80]  }
0xa3: {  	v17 =	vsub.f32 v16, v17;
	v16 =	vld [tilespmem:$0xE90]  }
0xa4: {  	v19 =	vsub.f32 v18, v19;
	v18 =	vld [tilespmem:$0xEA0]  }
0xa5: {  	v23 =	vsub.f32 v22, v23;
	v22 =	vld [tilespmem:$0xEC0];
	[tilespmem:$0x1000] =	vst v0  }
0xa6: {  	v25 =	vsub.f32 v24, v25;
	v24 =	vld [tilespmem:$0xED0];
	[tilespmem:$0x1010] =	vst v2  }
0xa7: {  	v21 =	vsub.f32 v20, v21;
	v27 =	vsub.f32 v26, v27;
	v26 =	vld [tilespmem:$0xEE0];
	[tilespmem:$0x1040] =	vst v9  }
0xa8: {  	v31 =	vsub.f32 v30, v31;
	v30 =	vsub.f32 v44, v45;
	v45 =	vld [tilespmem:$0xF30];
	[tilespmem:$0x1060] =	vst v13  }
0xa9: {  	v33 =	vsub.f32 v32, v33;
	v32 =	vsub.f32 v48, v49;
	v49 =	vld [tilespmem:$0xF40];
	[tilespmem:$0x1070] =	vst v15  }
0xaa: {  	v35 =	vsub.f32 v34, v35;
	v34 =	vsub.f32 v52, v53;
	v53 =	vld [tilespmem:$0xF50];
	[tilespmem:$0x1080] =	vst v17  }
0xab: {  	v37 =	vsub.f32 v36, v37;
	v36 =	vsub.f32 v56, v57;
	v57 =	vld [tilespmem:$0xF60];
	[tilespmem:$0x1090] =	vst v19  }
0xac: {  	v0 =	vsub.f32 v4, v5;
	v4 =	vld [tilespmem:$0xE30];
	[tilespmem:$0x10A0] =	vst v21  }
0xad: {  	v5 =	vld [tilespmem:$0xA40];
	[tilespmem:$0x10B0] =	vst v23  }
0xae: {  	v29 =	vsub.f32 v28, v29;
	v9 =	vld [tilespmem:$0xA60];
	[tilespmem:$0x10C0] =	vst v25  }
0xaf: {  	v13 =	vld [tilespmem:$0xA80];
	[tilespmem:$0x10D0] =	vst v27  }
0xb0: {  	v15 =	vld [tilespmem:$0xA90];
	[tilespmem:$0x10E0] =	vst v29  }
0xb1: {  	v17 =	vld [tilespmem:$0xAA0];
	[tilespmem:$0x10F0] =	vst v31  }
0xb2: {  	v19 =	vld [tilespmem:$0xAB0];
	[tilespmem:$0x1100] =	vst v33  }
0xb3: {  	v28 =	vsub.f32 v40, v41;
	[tilespmem:$0x1110] =	vst v35;
	v21 =	vld [tilespmem:$0xAC0]  }
0xb4: {  	[tilespmem:$0x1120] =	vst v37;
	v23 =	vld [tilespmem:$0xAD0]  }
0xb5: {  	[tilespmem:$0x1140] =	vst v28;
	v25 =	vld [tilespmem:$0xAE0]  }
0xb6: {  	[tilespmem:$0x1160] =	vst v30;
	v28 =	vld [tilespmem:$0xEF0]  }
0xb7: {  	[tilespmem:$0x1180] =	vst v32;
	v30 =	vld [tilespmem:$0xF00]  }
0xb8: {  	[tilespmem:$0x11A0] =	vst v34;
	v32 =	vld [tilespmem:$0xF10]  }
0xb9: {  	v27 =	vsub.f32 v38, v39;
	[tilespmem:$0x11C0] =	vst v36;
	v39 =	vld [tilespmem:$0x1FFA0]  }
0xba: {  	v34 =	vld [tilespmem:$0xF20];
	[tilespmem:$0x1020] =	vst v0  }
0xbb: {  	v29 =	vsub.f32 v42, v43;
	v31 =	vsub.f32 v46, v47;
	v47 =	vld [tilespmem:$0xB40];
	[tilespmem:$0x1130] =	vst v27  }
0xbc: {  	[tilespmem:$0x1FFB0] =	vst v62;
	v62 =	vld [tilespmem:$0xE00]  }
0xbd: {  	v33 =	vsub.f32 v50, v51;
	v51 =	vld [tilespmem:$0xB50];
	[tilespmem:$0x1150] =	vst v29  }
0xbe: {  	v35 =	vsub.f32 v54, v55;
	v55 =	vld [tilespmem:$0xB60];
	[tilespmem:$0x1170] =	vst v31  }
0xbf: {  	v37 =	vsub.f32 v58, v59;
	v59 =	vld [tilespmem:$0xB70];
	[tilespmem:$0x1190] =	vst v33  }
0xc0: {  	v38 =	vsub.f32 v60, v61;
	v61 =	vld [tilespmem:$0xF70];
	[tilespmem:$0x11B0] =	vst v35  }
0xc1: {  	[tilespmem:$0x1FFC0] =	vst v62;
	v62 =	vld [tilespmem:$0xA10]  }
0xc2: {  	v27 =	vld [tilespmem:$0xAF0];
	[tilespmem:$0x11D0] =	vst v37;
	v2 =	vsub.f32 v39, v63  }
0xc3: {  	v29 =	vld [tilespmem:$0xB00];
	[tilespmem:$0x11E0] =	vst v38;
	v46 =	vsub.f32 v3, v4  }
0xc4: {  	v31 =	vld [tilespmem:$0xB10];
	[tilespmem:$0x11F0] =	vst v2  }
0xc5: {  	v33 =	vld [tilespmem:$0xB20];
	v56 =	vsub.f32 v13, v14;
	[tilespmem:$0x1230] =	vst v46  }
0xc6: {  	v58 =	vsub.f32 v15, v16;
	[tilespmem:$0x1FFD0] =	vst v62;
	v62 =	vld [tilespmem:$0xE10]  }
0xc7: {  	v35 =	vld [tilespmem:$0xB30];
	v60 =	vsub.f32 v17, v18;
	[tilespmem:$0x1280] =	vst v56  }
0xc8: {  	v37 =	vld [tilespmem:$0xBA0];
	v21 =	vsub.f32 v21, v22;
	[tilespmem:$0x1290] =	vst v58  }
0xc9: {  	v40 =	vld [tilespmem:$0x1FFB0];
	[tilespmem:$0x12A0] =	vst v60  }
0xca: {  	v23 =	vsub.f32 v23, v24;
	[tilespmem:$0x12C0] =	vst v21;
	v41 =	vld [tilespmem:$0x1FFC0]  }
0xcb: {  	v25 =	vsub.f32 v25, v26;
	[tilespmem:$0x1FFE0] =	vst v62;
	v62 =	vld [tilespmem:$0xA20]  }
0xcc: {  	[tilespmem:$0x12D0] =	vst v23;
	v36 =	vsub.f32 v27, v28;
	v42 =	vld [tilespmem:$0x1FFD0]  }
0xcd: {  	[tilespmem:$0x12E0] =	vst v25;
	v38 =	vsub.f32 v29, v30;
	v43 =	vld [tilespmem:$0x1FFE0]  }
0xce: {  	v63 =	vld [tilespmem:$0xB80];
	[tilespmem:$0x12F0] =	vst v36  }
0xcf: {  	v22 =	vld [tilespmem:$0xF80];
	[tilespmem:$0x1300] =	vst v38;
	v0 =	vsub.f32 v40, v41  }
0xd0: {  	v40 =	vsub.f32 v31, v32;
	[tilespmem:$0x1FFF0] =	vst v62;
	v62 =	vsub.f32 v6, v7;
	v6 =	vld [tilespmem:$0xE40]  }
0xd1: {  	[tilespmem:$0x1200] =	vst v0;
	v7 =	vld [tilespmem:$0xA50]  }
0xd2: {  	[tilespmem:$0x1310] =	vst v40;
	v2 =	vsub.f32 v42, v43;
	v44 =	vld [tilespmem:$0x1FFF0]  }
0xd3: {  	v24 =	vld [tilespmem:$0xB90];
	v42 =	vsub.f32 v33, v34;
	[tilespmem:$0x1030] =	vst v62  }
0xd4: {  	v26 =	vld [tilespmem:$0xF90];
	v62 =	vsub.f32 v10, v11;
	[tilespmem:$0x1210] =	vst v2  }
0xd5: {  	v39 =	vld [tilespmem:$0xFA0];
	[tilespmem:$0x1320] =	vst v42;
	v48 =	vsub.f32 v5, v6  }
0xd6: {  	v46 =	vld [tilespmem:$0xFC0];
	[tilespmem:$0x1050] =	vst v62;
	v50 =	vsub.f32 v7, v8  }
0xd7: {  	v56 =	vld [tilespmem:$0xBF0];
	v0 =	vsub.f32 v44, v1;
	[tilespmem:$0x1240] =	vst v48  }
0xd8: {  	v58 =	vld [tilespmem:$0xFF0];
	v1 =	vsub.f32 v35, v45;
	[tilespmem:$0x1250] =	vst v50  }
0xd9: {  	v41 =	vld [tilespmem:$0xBB0];
	v45 =	vsub.f32 v47, v49;
	[tilespmem:$0x1220] =	vst v0  }
0xda: {  	v10 =	vld [tilespmem:$0xE60];
	v47 =	vsub.f32 v51, v53;
	[tilespmem:$0x1330] =	vst v1  }
0xdb: {  	v11 =	vld [tilespmem:$0xA70];
	v49 =	vsub.f32 v55, v57;
	[tilespmem:$0x1340] =	vst v45  }
0xdc: {  	v43 =	vld [tilespmem:$0xFB0];
	v51 =	vsub.f32 v59, v61;
	[tilespmem:$0x1350] =	vst v47  }
0xdd: {  	v62 =	vld [tilespmem:$0xEB0];
	v53 =	vsub.f32 v63, v22;
	[tilespmem:$0x1360] =	vst v49  }
0xde: {  	v44 =	vld [tilespmem:$0xBC0];
	v55 =	vsub.f32 v24, v26;
	[tilespmem:$0x1370] =	vst v51  }
0xdf: {  	v52 =	vsub.f32 v9, v10;
	v48 =	vld [tilespmem:$0xBD0];
	[tilespmem:$0x1380] =	vst v53  }
0xe0: {  	v54 =	vsub.f32 v11, v12;
	v50 =	vld [tilespmem:$0xFD0];
	[tilespmem:$0x1390] =	vst v55  }
0xe1: {  	v57 =	vsub.f32 v37, v39;
	[tilespmem:$0x1260] =	vst v52;
	v52 =	vld [tilespmem:$0xBE0]  }
0xe2: {  	v59 =	vsub.f32 v41, v43;
	[tilespmem:$0x1270] =	vst v54;
	v54 =	vld [tilespmem:$0xFE0]  }
0xe3: {  	v63 =	vsub.f32 v56, v58;
	[tilespmem:$0x13A0] =	vst v57  }
0xe4: {  	[tilespmem:$0x13B0] =	vst v59;
	v62 =	vsub.f32 v19, v62  }
0xe5: {  	[tilespmem:$0x13F0] =	vst v63;
	v60 =	vsub.f32 v44, v46  }
0xe6: {  	[tilespmem:$0x12B0] =	vst v62;
	v61 =	vsub.f32 v48, v50  }
0xe7: {  	[tilespmem:$0x13C0] =	vst v60;
	v62 =	vsub.f32 v52, v54  }
0xe8: {  	[tilespmem:$0x13D0] =	vst v61  }
0xe9: {  	s3 =	sadd.s32 $0x21800, s3;
	s30 =	simm.s32 $0x1000;
	s31 =	simm.s32 $0x2;
	[tilespmem:$0x13E0] =	vst v62  }
0xea: {  	[hbm4b:s3+s2] =	stream.linear.scatter [tilespmem:s30], [sflag:$0x2], $0x400, $0x38;
	[tilespmem:$0x1400] =	vst v63  }
0xeb: {  	_ =	swait.ge [sflag:s31], $0x400  }
0xec: {  	[sflag:s31] =	ssyncset.done $0x0  }
0xed: {  	[sflag:s31] =	ssyncadd.s32 $0xFFFFFC00  }
0xee: {  	_ =	sfence.sel $0x180000  }
0xef: {  	[bflag:$0x0] =	sbarrier.arrive $0xFFFF  }
0xf0: {  	p0 =	sne.s32 s1, $0x0;
	_ =	strace $0x90000047  }
0xf1: {  	s0 =	sadd.s32 @!p0 $0x100000, s0;
	[bflag:$0x2] =	sbarrier.arrive $0xFFFF  }
0xf2: {  	[sflag:s0] =	ssyncadd.tile.s32 @!p0 $0x1;
	_ =	shalt  }
.Lfunc_end2:
_tile_overlayer_lowered:
.L_overlay_start_2:
0xf3: {  	(tag) =	ssettag $0x2  }
0xf4: {  	s0 =	rddreg [dreg:$0x0];
	s2 =	stileid.u32  }
0xf5: {  	s1 =	rddreg [dreg:$0x1];
	p0 =	sne.s32 s2, $0x0  }
0xf6: {  	s3 =	rddreg [dreg:$0x2];
	[bflag:$0x3] =	sbarrier.arrive $0xFFFF;
	s2 =	simm.s32 @!p0 $0x1C02  }
0xf7: {  	[timem:s3], [sflag:s2] =	dma.local @!p0 [hbm:s0], s1  }
0xf8: {  	s0 =	simm.s32 @!p0 $0x2  }
0xf9: {  	_ =	swait.ge @!p0 [sflag:s0], s1  }
0xfa: {  	s1 =	ssub.s32 @!p0 $0x0, s1;
	[sflag:s0] =	ssyncset.done @!p0 $0x0  }
0xfb: {  	[sflag:s0] =	ssyncadd.s32 @!p0 s1  }
0xfc: {  	[bflag:$0x3] =	sbarrier.arrive $0xFFFF  }
0xfd: {  	_ =	shalt  }

</sc_bundles>
